<compile_context>
chip_gen: v7x
topology: tpu7x:2x2x1
jax: 0.10.2.dev20260603
libtpu: 0.0.44.dev20260713+nightly
codegen_flags: <defaults>
</compile_context>

<pallas_src>
import functools

import jax
import jax.numpy as jnp
from jax import lax
from jax.experimental import pallas as pl
from jax.experimental.pallas import tpu as pltpu
from jax.experimental.pallas import tpu_sc as plsc

B, V, F_DIM, E, O = 2, 10000, 128, 160000, 128
NS = 16
EPT = E // NS
K = 80
NCHUNK = EPT // K
VPT = V // NS
VPAD = 640
SPAN = 640
TAIL = V - (NS - 1) * SPAN
EPS = 1e-5


def _sc_aggregate(xflat, sd, attr4):
    mesh = plsc.VectorSubcoreMesh(
        core_axis_name="c", subcore_axis_name="s", num_cores=2,
        num_subcores=NS)

    @functools.partial(
        pl.kernel,
        out_type=[
            jax.ShapeDtypeStruct((B * V, F_DIM), jnp.float32),
            jax.ShapeDtypeStruct((B, NS, 1, VPAD), jnp.float32),
        ],
        mesh=mesh,
        scratch_types=[
            pltpu.VMEM((K,), jnp.int32),
            pltpu.VMEM((K,), jnp.int32),
            pltpu.VMEM((K,), jnp.float32),
            pltpu.VMEM((K,), jnp.float32),
            pltpu.VMEM((K,), jnp.int32),
            pltpu.VMEM((K,), jnp.int32),
            pltpu.VMEM((K,), jnp.int32),
            pltpu.VMEM((K,), jnp.int32),
            pltpu.VMEM((K, F_DIM), jnp.float32),
            pltpu.VMEM((K, F_DIM), jnp.float32),
            pltpu.VMEM((NS * VPAD,), jnp.float32),
            pltpu.VMEM((VPAD,), jnp.float32),
            pltpu.VMEM((VPAD,), jnp.float32),
            pltpu.VMEM_SHARED((V, F_DIM), jnp.float32),
            pltpu.VMEM_SHARED((NS, 1, NS * VPAD), jnp.float32),
            pltpu.SemaphoreType.DMA,
            pltpu.SemaphoreType.DMA,
            pltpu.SemaphoreType.DMA,
            pltpu.SemaphoreType.DMA,
            pltpu.SemaphoreType.DMA,
            pltpu.SemaphoreType.DMA,
        ],
        compiler_params=pltpu.CompilerParams(needs_layout_passes=False),
    )
    def agg(xflat_hbm, sd_hbm, attr_hbm, a_out, s_out,
            pk0, pk1, at0, at1, gi0, gi1, di0, di1, rw0, rw1, sp, sacc,
            stmp, sh_a, sh_s, is0, is1, gs0, gs1, ss0, ss1):
        c = lax.axis_index("c")
        s = lax.axis_index("s")
        zero16 = jnp.zeros((16,), jnp.float32)
        pk = (pk0, pk1)
        at = (at0, at1)
        gi = (gi0, gi1)
        di = (di0, di1)
        rw = (rw0, rw1)
        isem = (is0, is1)
        gsem = (gs0, gs1)
        ssem = (ss0, ss1)
        voff = c * V

        def idx_load(j, slot):
            pltpu.async_copy(sd_hbm.at[s, j, 0], pk[slot], isem[slot])
            pltpu.async_copy(attr_hbm.at[c, s, j, 0], at[slot], isem[slot])

        def idx_wait(slot):
            pltpu.make_async_copy(sd_hbm.at[s, 0, 0], pk[slot],
                                  isem[slot]).wait()
            pltpu.make_async_copy(attr_hbm.at[c, s, 0, 0], at[slot],
                                  isem[slot]).wait()

        def gather_start(slot):
            pltpu.async_copy(xflat_hbm.at[gi[slot]], rw[slot], gsem[slot])

        def gather_wait(slot):
            pltpu.make_async_copy(xflat_hbm.at[gi[slot]], rw[slot],
                                  gsem[slot]).wait()

        def scat_start(slot):
            pltpu.async_copy(rw[slot], sh_a.at[di[slot]], ssem[slot],
                             add=True)

        def scat_wait(slot):
            pltpu.make_async_copy(rw[slot], sh_a.at[di[slot]],
                                  ssem[slot]).wait()

        def gi_pass(slot):
            for u in range(K // 16):
                sl = pl.ds(u * 16, 16)
                gi[slot][sl] = (pk[slot][sl] & 0xFFFF) + voff

        def dsp_pass(slot):
            for u in range(K // 16):
                sl = pl.ds(u * 16, 16)
                d = lax.shift_right_logical(pk[slot][sl], 16)
                di[slot][sl] = d
                q = lax.shift_right_logical(d * 26844, 24)
                idx = d + 15 * q
                plsc.addupdate_scatter(sp, [idx], at[slot][sl])

        idx_load(0, 0)
        idx_load(1, 1)

        def zero_sp(i, _):
            sp[pl.ds(i * 16, 16)] = zero16
            return 0
        lax.fori_loop(0, NS * VPAD // 16, zero_sp, 0)

        idx_wait(0)
        gi_pass(0)
        gather_start(0)

        def zero_rows(i, _):
            rw1[i // 8, pl.ds((i % 8) * 16, 16)] = zero16
            return 0
        lax.fori_loop(0, K * F_DIM // 16, zero_rows, 0)

        nq = jnp.where(s == NS - 1, 5, 8)
        base = s * SPAN

        def zero_sh(q, _):
            pltpu.sync_copy(rw1, sh_a.at[pl.ds(base + q * K, K)])
            return 0
        lax.fori_loop(0, nq, zero_sh, 0)
        dsp_pass(0)
        plsc.subcore_barrier()

        def chunk_step(j, slot):
            other = 1 - slot

            @pl.when(j < NCHUNK - 2)
            def _():
                idx_load(j + 2, slot)
            gather_wait(slot)
            scat_start(slot)

            @pl.when(j < NCHUNK - 1)
            def _():
                idx_wait(other)
                gi_pass(other)

                @pl.when(j > 0)
                def _():
                    scat_wait(other)
                gather_start(other)
                dsp_pass(other)

        def pair_body(p, _):
            chunk_step(2 * p, 0)
            chunk_step(2 * p + 1, 1)
            return 0
        lax.fori_loop(0, (NCHUNK - 1) // 2, pair_body, 0)
        chunk_step(NCHUNK - 1, 0)
        scat_wait(1)
        scat_wait(0)

        pltpu.sync_copy(sp, sh_s.at[s, 0])
        plsc.subcore_barrier()

        pltpu.sync_copy(sh_s.at[0, 0, pl.ds(s * VPAD, VPAD)], sacc)

        def red_body(u, _):
            pltpu.sync_copy(sh_s.at[u, 0, pl.ds(s * VPAD, VPAD)], stmp)

            def add_body(k2, _):
                sacc[pl.ds(k2 * 16, 16)] = (
                    sacc[pl.ds(k2 * 16, 16)] + stmp[pl.ds(k2 * 16, 16)])
                return 0
            lax.fori_loop(0, VPAD // 16, add_body, 0)
            return 0
        lax.fori_loop(1, NS, red_body, 0)
        pltpu.sync_copy(sacc, s_out.at[c, s, 0])

        @pl.when(s < NS - 1)
        def _():
            pltpu.sync_copy(
                sh_a.at[pl.ds(s * SPAN, SPAN)],
                a_out.at[pl.ds(c * V + s * SPAN, SPAN)])

        @pl.when(s == NS - 1)
        def _():
            pltpu.sync_copy(
                sh_a.at[pl.ds((NS - 1) * SPAN, TAIL)],
                a_out.at[pl.ds(c * V + (NS - 1) * SPAN, TAIL)])

    return agg(xflat, sd, attr4)


VB = 1000
NBLK = B * V // VB


def _tc_fused(xflat, aflat, sflat, w_self, w_node, we_row, b_row, g_row,
              be_row):

    def body(x_ref, a_ref, s_ref, ws_ref, wn_ref, we_ref, b_ref, g_ref,
             be_ref, o_ref, h_scr, st_ref):
        i = pl.program_id(1)

        @pl.when(pl.program_id(0) == 0)
        def _():
            nt = (((1,), (1,)), ((), ()))
            h = lax.dot_general(x_ref[...], ws_ref[...], nt,
                                preferred_element_type=jnp.float32)
            h = h + lax.dot_general(a_ref[...], wn_ref[...], nt,
                                    preferred_element_type=jnp.float32)
            h = h + s_ref[...] * we_ref[...]
            h = h + b_ref[...]
            h_scr[pl.ds(i * VB, VB), :] = h

            @pl.when(i == 0)
            def _():
                st_ref[...] = jnp.zeros_like(st_ref)
            st_ref[0:1, :] += jnp.sum(h, axis=0, keepdims=True)
            st_ref[1:2, :] += jnp.sum(h * h, axis=0, keepdims=True)

        @pl.when(pl.program_id(0) == 1)
        def _():
            n = float(B * V)
            mean = st_ref[0:1, :] / n
            var = st_ref[1:2, :] / n - mean * mean
            scale = g_ref[...] * lax.rsqrt(var + EPS)
            shift = be_ref[...] - mean * scale
            h = h_scr[pl.ds(i * VB, VB), :]
            o_ref[...] = jnp.maximum(h * scale + shift, 0.0)

    row = lambda i0: pl.BlockSpec((VB, F_DIM), i0)
    full = lambda: pl.BlockSpec((1, O), lambda p, i: (0, 0))
    ph0 = lambda p, i: ((1 - p) * i, 0)
    return pl.pallas_call(
        body,
        grid=(2, NBLK),
        in_specs=[
            row(ph0),
            row(ph0),
            pl.BlockSpec((VB, 1), ph0),
            pl.BlockSpec((O, F_DIM), lambda p, i: (0, 0)),
            pl.BlockSpec((O, F_DIM), lambda p, i: (0, 0)),
            full(),
            full(),
            full(),
            full(),
        ],
        out_specs=pl.BlockSpec((VB, O), lambda p, i: (p * i, 0)),
        out_shape=jax.ShapeDtypeStruct((B * V, O), jnp.float32),
        scratch_shapes=[
            pltpu.VMEM((B * V, O), jnp.float32),
            pltpu.VMEM((2, O), jnp.float32),
        ],
    )(xflat, aflat, sflat, w_self, w_node, we_row, b_row, g_row, be_row)


@jax.jit
def kernel(X, edge_index, edge_attr, W_node, W_edge, W_self, b_self, gamma,
           beta):
    ei = edge_index.astype(jnp.int32)
    sd = (ei[:, 0] | (ei[:, 1] << 16)).reshape(NS, NCHUNK, 1, K)
    attr4 = edge_attr.reshape(B, NS, NCHUNK, 1, K)
    xflat = X.reshape(B * V, F_DIM)

    aflat, s_pad = _sc_aggregate(xflat, sd, attr4)
    sflat = s_pad[:, :, 0, :VPT].reshape(B * V, 1)

    out = _tc_fused(
        xflat, aflat, sflat, W_self, W_node,
        W_edge.reshape(1, O), b_self.reshape(1, O),
        gamma.reshape(1, O), beta.reshape(1, O))
    return out.reshape(B, V, O)

# --- scband reference (transcript-rebuilt; emitter-appended) ---
"""Pipeline reference for scband-edge-gcnlayer-39367670235775 (READ-ONLY COPY).

The authoritative reference and input builder live on the scoring server;
editing this copy changes nothing except your own understanding.
"""

import jax, jax.numpy as jnp
import numpy as np

B, V, F_DIM, E, O = 2, 10000, 128, 160000, 128


def setup_inputs(seed: int = 0) -> dict:
    key = jax.random.key(seed)
    ks = jax.random.split(key, 9)
    X = jax.random.normal(ks[0], (B, V, F_DIM), dtype=jnp.float32)
    edge_index = jax.random.randint(ks[1], (E, 2), 0, V, dtype=jnp.int64)
    edge_attr = jax.random.normal(ks[2], (B, E), dtype=jnp.float32)
    # parameters (kaiming-ish scale)
    W_node = jax.random.normal(ks[3], (O, F_DIM), dtype=jnp.float32) * (1.0 / np.sqrt(F_DIM))
    W_edge = jax.random.normal(ks[4], (O, 1), dtype=jnp.float32)
    W_self = jax.random.normal(ks[5], (O, F_DIM), dtype=jnp.float32) * (1.0 / np.sqrt(F_DIM))
    b_self = jnp.zeros((O,), dtype=jnp.float32)
    gamma = jnp.ones((O,), dtype=jnp.float32)
    beta = jnp.zeros((O,), dtype=jnp.float32)
    return {
        "X": X,
        "edge_index": edge_index,
        "edge_attr": edge_attr,
        "W_node": W_node,
        "W_edge": W_edge,
        "W_self": W_self,
        "b_self": b_self,
        "gamma": gamma,
        "beta": beta,
    }


def reference(X, edge_index, edge_attr, W_node, W_edge, W_self, b_self, gamma, beta):
    src = edge_index[:, 0]
    dst = edge_index[:, 1]
    # self loop: Linear(node_in, node_out, bias=True)
    H = jnp.einsum('bvf,of->bvo', X, W_self) + b_self
    # per-edge messages: W_node(X[:, src, :]) + W_edge(edge_attr[:, e:e+1])
    node_feat = jnp.take(X, src, axis=1)                  # [B, E, F]
    node_msg = jnp.einsum('bef,of->beo', node_feat, W_node)  # [B, E, O]
    edge_msg = edge_attr[:, :, None] * W_edge[:, 0][None, None, :]  # [B, E, O]
    msgs = node_msg + edge_msg                             # [B, E, O]
    # scatter-add messages into dst nodes
    agg = jax.ops.segment_sum(jnp.transpose(msgs, (1, 0, 2)), dst, num_segments=V)  # [V, B, O]
    H = H + jnp.transpose(agg, (1, 0, 2))                  # [B, V, O]
    # BatchNorm1d over channel dim (training-mode batch statistics over B and V)
    mean = jnp.mean(H, axis=(0, 1))
    var = jnp.var(H, axis=(0, 1))
    Hn = (H - mean[None, None, :]) / jnp.sqrt(var[None, None, :] + 1e-5)
    Hn = Hn * gamma[None, None, :] + beta[None, None, :]
    return jax.nn.relu(Hn)

if __name__ == "__main__":
    import jax
    _d = setup_inputs()
    print(jax.jit(kernel)(*tuple(_d.values())))

</pallas_src>

<mosaic_0001>
#map = affine_map<(d0, d1) -> (0, 0)>
#map1 = affine_map<(d0, d1) -> (0, 0, 0, 0)>
#map2 = affine_map<(d0, d1) -> (0, 0, 0, 0, 0)>
module attributes {stable_mosaic.version = 14 : i64} {
  func.func @agg(%arg0: i32, %arg1: i32, %arg2: memref<20000x128xf32, #tpu.memory_space<hbm>>, %arg3: memref<16x125x1x80xi32, #tpu.memory_space<hbm>>, %arg4: memref<2x16x125x1x80xf32, #tpu.memory_space<hbm>>, %arg5: memref<20000x128xf32, #tpu.memory_space<hbm>>, %arg6: memref<2x16x1x640xf32, #tpu.memory_space<hbm>>, %arg7: memref<80xi32, #tpu.memory_space<vmem>>, %arg8: memref<80xi32, #tpu.memory_space<vmem>>, %arg9: memref<80xf32, #tpu.memory_space<vmem>>, %arg10: memref<80xf32, #tpu.memory_space<vmem>>, %arg11: memref<80xi32, #tpu.memory_space<vmem>>, %arg12: memref<80xi32, #tpu.memory_space<vmem>>, %arg13: memref<80xi32, #tpu.memory_space<vmem>>, %arg14: memref<80xi32, #tpu.memory_space<vmem>>, %arg15: memref<80x128xf32, #tpu.memory_space<vmem>>, %arg16: memref<80x128xf32, #tpu.memory_space<vmem>>, %arg17: memref<10240xf32, #tpu.memory_space<vmem>>, %arg18: memref<640xf32, #tpu.memory_space<vmem>>, %arg19: memref<640xf32, #tpu.memory_space<vmem>>, %arg20: memref<10000x128xf32, #tpu.memory_space<vmem_shared>>, %arg21: memref<16x1x10240xf32, #tpu.memory_space<vmem_shared>>, %arg22: memref<!tpu.dma_semaphore, #tpu.memory_space<semaphore_mem>>, %arg23: memref<!tpu.dma_semaphore, #tpu.memory_space<semaphore_mem>>, %arg24: memref<!tpu.dma_semaphore, #tpu.memory_space<semaphore_mem>>, %arg25: memref<!tpu.dma_semaphore, #tpu.memory_space<semaphore_mem>>, %arg26: memref<!tpu.dma_semaphore, #tpu.memory_space<semaphore_mem>>, %arg27: memref<!tpu.dma_semaphore, #tpu.memory_space<semaphore_mem>>) attributes {dimension_semantics = [#tpu.dimension_semantics<core_parallel>, #tpu.dimension_semantics<subcore_parallel>], iteration_bounds = array<i64: 2, 16>, scalar_prefetch = 0 : i64, scratch_operands = 21 : i64, tpu.core_type = #tpu.core_type<sc_vector_subcore>, window_params = [{transform_indices = #map}, {transform_indices = #map1}, {transform_indices = #map2}, {transform_indices = #map}, {transform_indices = #map1}]} {
    %broadcast_in_dim3A = arith.constant 0.000000e+00 : f32
    %broadcast_in_dim3A_0 = vector.broadcast %broadcast_in_dim3A : f32 to vector<16xf32>
    %mul3A = arith.constant 10000 : i32
    %mul3A_1 = arith.muli %arg0, %mul3A : i32
    %dma_start3A = arith.constant 0 : i32
    %dma_start3A_2 = arith.constant 0 : i32
    %dma_start3A_3 = arith.constant 0 : i32
    %dma_start3A_4 = tpu.memref_slice %arg3[%arg1, %dma_start3A, %dma_start3A_2, %dma_start3A_3] : memref<16x125x1x80xi32, #tpu.memory_space<hbm>> -> memref<1x1x1x80xi32, #tpu.memory_space<hbm>>
    %dma_start3A_5 = tpu.memref_squeeze %dma_start3A_4 : memref<1x1x1x80xi32, #tpu.memory_space<hbm>> -> memref<80xi32, #tpu.memory_space<hbm>>
    %dma_start3A_6 = arith.constant 0 : i32
    %dma_start3A_7 = tpu.memref_slice %arg3[%arg1, %dma_start3A, %dma_start3A_2, %dma_start3A_6] : memref<16x125x1x80xi32, #tpu.memory_space<hbm>> -> memref<1x1x1x80xi32, #tpu.memory_space<hbm>>
    %dma_start3A_8 = tpu.memref_squeeze %dma_start3A_7 : memref<1x1x1x80xi32, #tpu.memory_space<hbm>> -> memref<80xi32, #tpu.memory_space<hbm>>
    tpu.enqueue_dma source(%dma_start3A_8 : memref<80xi32, #tpu.memory_space<hbm>>) target(%arg7 : memref<80xi32, #tpu.memory_space<vmem>>) target_semaphore(%arg22 : memref<!tpu.dma_semaphore, #tpu.memory_space<semaphore_mem>>)
    %dma_start3A_9 = arith.constant 0 : i32
    %dma_start3A_10 = arith.constant 0 : i32
    %dma_start3A_11 = arith.constant 0 : i32
    %dma_start3A_12 = tpu.memref_slice %arg4[%arg0, %arg1, %dma_start3A_9, %dma_start3A_10, %dma_start3A_11] : memref<2x16x125x1x80xf32, #tpu.memory_space<hbm>> -> memref<1x1x1x1x80xf32, #tpu.memory_space<hbm>>
    %dma_start3A_13 = tpu.memref_squeeze %dma_start3A_12 : memref<1x1x1x1x80xf32, #tpu.memory_space<hbm>> -> memref<80xf32, #tpu.memory_space<hbm>>
    %dma_start3A_14 = arith.constant 0 : i32
    %dma_start3A_15 = tpu.memref_slice %arg4[%arg0, %arg1, %dma_start3A_9, %dma_start3A_10, %dma_start3A_14] : memref<2x16x125x1x80xf32, #tpu.memory_space<hbm>> -> memref<1x1x1x1x80xf32, #tpu.memory_space<hbm>>
    %dma_start3A_16 = tpu.memref_squeeze %dma_start3A_15 : memref<1x1x1x1x80xf32, #tpu.memory_space<hbm>> -> memref<80xf32, #tpu.memory_space<hbm>>
    tpu.enqueue_dma source(%dma_start3A_16 : memref<80xf32, #tpu.memory_space<hbm>>) target(%arg9 : memref<80xf32, #tpu.memory_space<vmem>>) target_semaphore(%arg22 : memref<!tpu.dma_semaphore, #tpu.memory_space<semaphore_mem>>)
    %dma_start3A_17 = arith.constant 1 : i32
    %dma_start3A_18 = arith.constant 0 : i32
    %dma_start3A_19 = arith.constant 0 : i32
    %dma_start3A_20 = tpu.memref_slice %arg3[%arg1, %dma_start3A_17, %dma_start3A_18, %dma_start3A_19] : memref<16x125x1x80xi32, #tpu.memory_space<hbm>> -> memref<1x1x1x80xi32, #tpu.memory_space<hbm>>
    %dma_start3A_21 = tpu.memref_squeeze %dma_start3A_20 : memref<1x1x1x80xi32, #tpu.memory_space<hbm>> -> memref<80xi32, #tpu.memory_space<hbm>>
    %dma_start3A_22 = arith.constant 0 : i32
    %dma_start3A_23 = tpu.memref_slice %arg3[%arg1, %dma_start3A_17, %dma_start3A_18, %dma_start3A_22] : memref<16x125x1x80xi32, #tpu.memory_space<hbm>> -> memref<1x1x1x80xi32, #tpu.memory_space<hbm>>
    %dma_start3A_24 = tpu.memref_squeeze %dma_start3A_23 : memref<1x1x1x80xi32, #tpu.memory_space<hbm>> -> memref<80xi32, #tpu.memory_space<hbm>>
    tpu.enqueue_dma source(%dma_start3A_24 : memref<80xi32, #tpu.memory_space<hbm>>) target(%arg8 : memref<80xi32, #tpu.memory_space<vmem>>) target_semaphore(%arg23 : memref<!tpu.dma_semaphore, #tpu.memory_space<semaphore_mem>>)
    %dma_start3A_25 = arith.constant 1 : i32
    %dma_start3A_26 = arith.constant 0 : i32
    %dma_start3A_27 = arith.constant 0 : i32
    %dma_start3A_28 = tpu.memref_slice %arg4[%arg0, %arg1, %dma_start3A_25, %dma_start3A_26, %dma_start3A_27] : memref<2x16x125x1x80xf32, #tpu.memory_space<hbm>> -> memref<1x1x1x1x80xf32, #tpu.memory_space<hbm>>
    %dma_start3A_29 = tpu.memref_squeeze %dma_start3A_28 : memref<1x1x1x1x80xf32, #tpu.memory_space<hbm>> -> memref<80xf32, #tpu.memory_space<hbm>>
    %dma_start3A_30 = arith.constant 0 : i32
    %dma_start3A_31 = tpu.memref_slice %arg4[%arg0, %arg1, %dma_start3A_25, %dma_start3A_26, %dma_start3A_30] : memref<2x16x125x1x80xf32, #tpu.memory_space<hbm>> -> memref<1x1x1x1x80xf32, #tpu.memory_space<hbm>>
    %dma_start3A_32 = tpu.memref_squeeze %dma_start3A_31 : memref<1x1x1x1x80xf32, #tpu.memory_space<hbm>> -> memref<80xf32, #tpu.memory_space<hbm>>
    tpu.enqueue_dma source(%dma_start3A_32 : memref<80xf32, #tpu.memory_space<hbm>>) target(%arg10 : memref<80xf32, #tpu.memory_space<vmem>>) target_semaphore(%arg23 : memref<!tpu.dma_semaphore, #tpu.memory_space<semaphore_mem>>)
    %scan3A = arith.constant 0 : i32
    %scan3A_33 = arith.constant 0 : i32
    %scan3A_34 = arith.constant 640 : i32
    %scan3A_35 = arith.addi %scan3A_33, %scan3A_34 : i32
    %scan3A_36 = arith.constant 1 : i32
    %scan3A_37 = scf.for %scan3A_253 = %scan3A_33 to %scan3A_35 step %scan3A_36 iter_args(%scan3A_254 = %scan3A) -> (i32)  : i32 {
      %mul3A_255 = arith.constant 16 : i32
      %mul3A_256 = arith.muli %scan3A_253, %mul3A_255 : i32
      %swap3A_257 = arith.index_cast %mul3A_256 : i32 to index
      %swap3A_258 = tpu.vector_load %arg17[%swap3A_257] {strides = array<i32>} : memref<10240xf32, #tpu.memory_space<vmem>>, vector<16xf32>,
      tpu.vector_store %arg17[%swap3A_257], %broadcast_in_dim3A_0 {strides = array<i32>} : memref<10240xf32, #tpu.memory_space<vmem>>, vector<16xf32>,
      %scan3A_259 = arith.constant 0 : i32
      scf.yield %scan3A_259 : i32
    }
    %scan3A_38 = arith.constant 640 : i32
    %dma_wait3A = arith.constant 0 : i32
    %dma_wait3A_39 = arith.constant 0 : i32
    %dma_wait3A_40 = arith.constant 0 : i32
    %dma_wait3A_41 = tpu.memref_slice %arg3[%arg1, %dma_wait3A, %dma_wait3A_39, %dma_wait3A_40] : memref<16x125x1x80xi32, #tpu.memory_space<hbm>> -> memref<1x1x1x80xi32, #tpu.memory_space<hbm>>
    %dma_wait3A_42 = tpu.memref_squeeze %dma_wait3A_41 : memref<1x1x1x80xi32, #tpu.memory_space<hbm>> -> memref<80xi32, #tpu.memory_space<hbm>>
    %dma_wait3A_43 = arith.constant 0 : i32
    %dma_wait3A_44 = tpu.memref_slice %arg3[%arg1, %dma_wait3A, %dma_wait3A_39, %dma_wait3A_43] : memref<16x125x1x80xi32, #tpu.memory_space<hbm>> -> memref<1x1x1x80xi32, #tpu.memory_space<hbm>>
    %dma_wait3A_45 = tpu.memref_squeeze %dma_wait3A_44 : memref<1x1x1x80xi32, #tpu.memory_space<hbm>> -> memref<80xi32, #tpu.memory_space<hbm>>
    tpu.wait_dma2 semaphore(%arg22 : memref<!tpu.dma_semaphore, #tpu.memory_space<semaphore_mem>>) src(%dma_wait3A_45 : memref<80xi32, #tpu.memory_space<hbm>>) dst(%arg7 : memref<80xi32, #tpu.memory_space<vmem>>)
    %dma_wait3A_46 = arith.constant 0 : i32
    %dma_wait3A_47 = arith.constant 0 : i32
    %dma_wait3A_48 = arith.constant 0 : i32
    %dma_wait3A_49 = tpu.memref_slice %arg4[%arg0, %arg1, %dma_wait3A_46, %dma_wait3A_47, %dma_wait3A_48] : memref<2x16x125x1x80xf32, #tpu.memory_space<hbm>> -> memref<1x1x1x1x80xf32, #tpu.memory_space<hbm>>
    %dma_wait3A_50 = tpu.memref_squeeze %dma_wait3A_49 : memref<1x1x1x1x80xf32, #tpu.memory_space<hbm>> -> memref<80xf32, #tpu.memory_space<hbm>>
    %dma_wait3A_51 = arith.constant 0 : i32
    %dma_wait3A_52 = tpu.memref_slice %arg4[%arg0, %arg1, %dma_wait3A_46, %dma_wait3A_47, %dma_wait3A_51] : memref<2x16x125x1x80xf32, #tpu.memory_space<hbm>> -> memref<1x1x1x1x80xf32, #tpu.memory_space<hbm>>
    %dma_wait3A_53 = tpu.memref_squeeze %dma_wait3A_52 : memref<1x1x1x1x80xf32, #tpu.memory_space<hbm>> -> memref<80xf32, #tpu.memory_space<hbm>>
    tpu.wait_dma2 semaphore(%arg22 : memref<!tpu.dma_semaphore, #tpu.memory_space<semaphore_mem>>) src(%dma_wait3A_53 : memref<80xf32, #tpu.memory_space<hbm>>) dst(%arg9 : memref<80xf32, #tpu.memory_space<vmem>>)
    %get3A = arith.constant 0 : index
    %get3A_54 = tpu.vector_load %arg7[%get3A] {strides = array<i32>} : memref<80xi32, #tpu.memory_space<vmem>>, vector<16xi32>,
    %and3A = arith.constant 65535 : i32
    %and3A_55 = vector.broadcast %and3A : i32 to vector<16xi32>
    %and3A_56 = arith.andi %get3A_54, %and3A_55 : vector<16xi32>
    %add3A = vector.broadcast %mul3A_1 : i32 to vector<16xi32>
    %add3A_57 = arith.addi %and3A_56, %add3A : vector<16xi32>
    %swap3A = arith.constant 0 : index
    %swap3A_58 = tpu.vector_load %arg11[%swap3A] {strides = array<i32>} : memref<80xi32, #tpu.memory_space<vmem>>, vector<16xi32>,
    tpu.vector_store %arg11[%swap3A], %add3A_57 {strides = array<i32>} : memref<80xi32, #tpu.memory_space<vmem>>, vector<16xi32>,
    %get3A_59 = arith.constant 16 : index
    %get3A_60 = tpu.vector_load %arg7[%get3A_59] {strides = array<i32>} : memref<80xi32, #tpu.memory_space<vmem>>, vector<16xi32>,
    %and3A_61 = arith.constant 65535 : i32
    %and3A_62 = vector.broadcast %and3A_61 : i32 to vector<16xi32>
    %and3A_63 = arith.andi %get3A_60, %and3A_62 : vector<16xi32>
    %add3A_64 = vector.broadcast %mul3A_1 : i32 to vector<16xi32>
    %add3A_65 = arith.addi %and3A_63, %add3A_64 : vector<16xi32>
    %swap3A_66 = arith.constant 16 : index
    %swap3A_67 = tpu.vector_load %arg11[%swap3A_66] {strides = array<i32>} : memref<80xi32, #tpu.memory_space<vmem>>, vector<16xi32>,
    tpu.vector_store %arg11[%swap3A_66], %add3A_65 {strides = array<i32>} : memref<80xi32, #tpu.memory_space<vmem>>, vector<16xi32>,
    %get3A_68 = arith.constant 32 : index
    %get3A_69 = tpu.vector_load %arg7[%get3A_68] {strides = array<i32>} : memref<80xi32, #tpu.memory_space<vmem>>, vector<16xi32>,
    %and3A_70 = arith.constant 65535 : i32
    %and3A_71 = vector.broadcast %and3A_70 : i32 to vector<16xi32>
    %and3A_72 = arith.andi %get3A_69, %and3A_71 : vector<16xi32>
    %add3A_73 = vector.broadcast %mul3A_1 : i32 to vector<16xi32>
    %add3A_74 = arith.addi %and3A_72, %add3A_73 : vector<16xi32>
    %swap3A_75 = arith.constant 32 : index
    %swap3A_76 = tpu.vector_load %arg11[%swap3A_75] {strides = array<i32>} : memref<80xi32, #tpu.memory_space<vmem>>, vector<16xi32>,
    tpu.vector_store %arg11[%swap3A_75], %add3A_74 {strides = array<i32>} : memref<80xi32, #tpu.memory_space<vmem>>, vector<16xi32>,
    %get3A_77 = arith.constant 48 : index
    %get3A_78 = tpu.vector_load %arg7[%get3A_77] {strides = array<i32>} : memref<80xi32, #tpu.memory_space<vmem>>, vector<16xi32>,
    %and3A_79 = arith.constant 65535 : i32
    %and3A_80 = vector.broadcast %and3A_79 : i32 to vector<16xi32>
    %and3A_81 = arith.andi %get3A_78, %and3A_80 : vector<16xi32>
    %add3A_82 = vector.broadcast %mul3A_1 : i32 to vector<16xi32>
    %add3A_83 = arith.addi %and3A_81, %add3A_82 : vector<16xi32>
    %swap3A_84 = arith.constant 48 : index
    %swap3A_85 = tpu.vector_load %arg11[%swap3A_84] {strides = array<i32>} : memref<80xi32, #tpu.memory_space<vmem>>, vector<16xi32>,
    tpu.vector_store %arg11[%swap3A_84], %add3A_83 {strides = array<i32>} : memref<80xi32, #tpu.memory_space<vmem>>, vector<16xi32>,
    %get3A_86 = arith.constant 64 : index
    %get3A_87 = tpu.vector_load %arg7[%get3A_86] {strides = array<i32>} : memref<80xi32, #tpu.memory_space<vmem>>, vector<16xi32>,
    %and3A_88 = arith.constant 65535 : i32
    %and3A_89 = vector.broadcast %and3A_88 : i32 to vector<16xi32>
    %and3A_90 = arith.andi %get3A_87, %and3A_89 : vector<16xi32>
    %add3A_91 = vector.broadcast %mul3A_1 : i32 to vector<16xi32>
    %add3A_92 = arith.addi %and3A_90, %add3A_91 : vector<16xi32>
    %swap3A_93 = arith.constant 64 : index
    %swap3A_94 = tpu.vector_load %arg11[%swap3A_93] {strides = array<i32>} : memref<80xi32, #tpu.memory_space<vmem>>, vector<16xi32>,
    tpu.vector_store %arg11[%swap3A_93], %add3A_92 {strides = array<i32>} : memref<80xi32, #tpu.memory_space<vmem>>, vector<16xi32>,
    %dma_start3A_95 = arith.constant 0 : i32
    %dma_start3A_96 = arith.constant 0 : i32
    %dma_start3A_97 = tpu.memref_slice %arg2[%dma_start3A_95, %dma_start3A_96] : memref<20000x128xf32, #tpu.memory_space<hbm>> -> memref<20000x128xf32, #tpu.memory_space<hbm>>
    tpu.enqueue_indirect_dma source(%dma_start3A_97 : memref<20000x128xf32, #tpu.memory_space<hbm>>) target(%arg15 : memref<80x128xf32, #tpu.memory_space<vmem>>) offsets(%arg11 : memref<80xi32, #tpu.memory_space<vmem>>) semaphore(%arg24 : memref<!tpu.dma_semaphore, #tpu.memory_space<semaphore_mem>>)
    %scan3A_98 = arith.constant 0 : i32
    %scan3A_99 = arith.constant 0 : i32
    %scan3A_100 = arith.constant 640 : i32
    %scan3A_101 = arith.addi %scan3A_99, %scan3A_100 : i32
    %scan3A_102 = arith.constant 1 : i32
    %scan3A_103 = scf.for %scan3A_253 = %scan3A_99 to %scan3A_101 step %scan3A_102 iter_args(%scan3A_254 = %scan3A_98) -> (i32)  : i32 {
      %jit3A_255 = arith.constant 8 : i32
      %div3A = arith.divsi %scan3A_253, %jit3A_255 : i32
      %sign3A = arith.constant 0 : i32
      %sign3A_256 = arith.cmpi sgt, %scan3A_253, %sign3A : i32
      %sign3A_257 = arith.extui %sign3A_256 : i1 to i32
      %sign3A_258 = arith.constant 0 : i32
      %sign3A_259 = arith.cmpi slt, %scan3A_253, %sign3A_258 : i32
      %sign3A_260 = arith.extui %sign3A_259 : i1 to i32
      %sign3A_261 = arith.subi %sign3A_257, %sign3A_260 : i32
      %sign3A_262 = arith.constant 0 : i32
      %sign3A_263 = arith.cmpi sgt, %jit3A_255, %sign3A_262 : i32
      %sign3A_264 = arith.extui %sign3A_263 : i1 to i32
      %sign3A_265 = arith.constant 0 : i32
      %sign3A_266 = arith.cmpi slt, %jit3A_255, %sign3A_265 : i32
      %sign3A_267 = arith.extui %sign3A_266 : i1 to i32
      %sign3A_268 = arith.subi %sign3A_264, %sign3A_267 : i32
      %ne3A = arith.cmpi ne, %sign3A_261, %sign3A_268 : i32
      %rem3A = arith.remsi %scan3A_253, %jit3A_255 : i32
      %ne3A_269 = arith.constant 0 : i32
      %ne3A_270 = arith.cmpi ne, %rem3A, %ne3A_269 : i32
      %and3A_271 = arith.andi %ne3A, %ne3A_270 : i1
      %sub3A = arith.constant 1 : i32
      %sub3A_272 = arith.subi %div3A, %sub3A : i32
      %select_n3A_273 = arith.select %and3A_271, %sub3A_272, %div3A : i32
      %jit3A_274 = arith.constant 8 : i32
      %eq3A_275 = arith.constant 0 : i32
      %eq3A_276 = arith.cmpi eq, %jit3A_274, %eq3A_275 : i32
      %jit3A_277 = arith.constant 1 : i32
      %select_n3A_278 = arith.select %eq3A_276, %jit3A_277, %jit3A_274 : i32
      %rem3A_279 = arith.remsi %scan3A_253, %select_n3A_278 : i32
      %ne3A_280 = arith.constant 0 : i32
      %ne3A_281 = arith.cmpi ne, %rem3A_279, %ne3A_280 : i32
      %lt3A_282 = arith.constant 0 : i32
      %lt3A_283 = arith.cmpi slt, %rem3A_279, %lt3A_282 : i32
      %lt3A_284 = arith.constant 0 : i32
      %lt3A_285 = arith.cmpi slt, %select_n3A_278, %lt3A_284 : i32
      %ne3A_286 = arith.xori %lt3A_283, %lt3A_285 : i1
      %and3A_287 = arith.andi %ne3A_286, %ne3A_281 : i1
      %add3A_288 = arith.addi %rem3A_279, %select_n3A_278 : i32
      %select_n3A_289 = arith.select %and3A_287, %add3A_288, %rem3A_279 : i32
      %mul3A_290 = arith.constant 16 : i32
      %mul3A_291 = arith.muli %select_n3A_289, %mul3A_290 : i32
      %swap3A_292 = arith.index_cast %select_n3A_273 : i32 to index
      %swap3A_293 = arith.index_cast %mul3A_291 : i32 to index
      %swap3A_294 = tpu.vector_load %arg16[%swap3A_292, %swap3A_293] {strides = array<i32>} : memref<80x128xf32, #tpu.memory_space<vmem>>, vector<16xf32>,
      tpu.vector_store %arg16[%swap3A_292, %swap3A_293], %broadcast_in_dim3A_0 {strides = array<i32>} : memref<80x128xf32, #tpu.memory_space<vmem>>, vector<16xf32>,
      %scan3A_295 = arith.constant 0 : i32
      scf.yield %scan3A_295 : i32
    }
    %scan3A_104 = arith.constant 640 : i32
    %eq3A = arith.constant 15 : i32
    %eq3A_105 = arith.cmpi eq, %arg1, %eq3A : i32
    %jit3A = arith.constant 5 : i32
    %jit3A_106 = arith.constant 8 : i32
    %select_n3A = arith.select %eq3A_105, %jit3A, %jit3A_106 : i32
    %mul3A_107 = arith.constant 640 : i32
    %mul3A_108 = arith.muli %arg1, %mul3A_107 : i32
    %while3A = arith.constant 0 : i32
    %while3A_109 = arith.constant 0 : i32
    %while3A_110 = arith.subi %select_n3A, %while3A : i32
    %while3A_111 = arith.addi %while3A, %while3A_110 : i32
    %while3A_112 = arith.constant 1 : i32
    %while3A_113 = arith.divsi %while3A_110, %while3A_112 : i32
    %while3A_114 = arith.muli %while3A_113, %while3A_112 : i32
    %while3A_115 = arith.addi %while3A, %while3A_114 : i32
    %while3A_116 = arith.constant 1 : i32
    %while3A_117 = scf.for %while3A_253 = %while3A to %while3A_115 step %while3A_116 iter_args(%while3A_254 = %while3A_109) -> (i32)  : i32 {
      %mul3A_255 = arith.constant 80 : i32
      %mul3A_256 = arith.muli %while3A_253, %mul3A_255 : i32
      %add3A_257 = arith.addi %mul3A_108, %mul3A_256 : i32
      "tpu.region"() ({
        %run_scoped3A_259 = tpu.sem_alloc : memref<!tpu.dma_semaphore, #tpu.memory_space<semaphore_mem>>
        %dma_start3A_260 = arith.constant 0 : i32
        %dma_start3A_261 = tpu.memref_slice %arg20[%add3A_257, %dma_start3A_260] : memref<10000x128xf32, #tpu.memory_space<vmem_shared>> -> memref<80x128xf32, #tpu.memory_space<vmem_shared>>
        %dma_start3A_262 = arith.constant 0 : i32
        %dma_start3A_263 = tpu.memref_slice %arg20[%add3A_257, %dma_start3A_262] : memref<10000x128xf32, #tpu.memory_space<vmem_shared>> -> memref<80x128xf32, #tpu.memory_space<vmem_shared>>
        tpu.enqueue_dma source(%arg16 : memref<80x128xf32, #tpu.memory_space<vmem>>) target(%dma_start3A_263 : memref<80x128xf32, #tpu.memory_space<vmem_shared>>) target_semaphore(%run_scoped3A_259 : memref<!tpu.dma_semaphore, #tpu.memory_space<semaphore_mem>>)
        %dma_wait3A_264 = arith.constant 0 : i32
        %dma_wait3A_265 = tpu.memref_slice %arg20[%add3A_257, %dma_wait3A_264] : memref<10000x128xf32, #tpu.memory_space<vmem_shared>> -> memref<80x128xf32, #tpu.memory_space<vmem_shared>>
        %dma_wait3A_266 = arith.constant 0 : i32
        %dma_wait3A_267 = tpu.memref_slice %arg20[%add3A_257, %dma_wait3A_266] : memref<10000x128xf32, #tpu.memory_space<vmem_shared>> -> memref<80x128xf32, #tpu.memory_space<vmem_shared>>
        tpu.wait_dma2 semaphore(%run_scoped3A_259 : memref<!tpu.dma_semaphore, #tpu.memory_space<semaphore_mem>>) src(%arg16 : memref<80x128xf32, #tpu.memory_space<vmem>>) dst(%dma_wait3A_267 : memref<80x128xf32, #tpu.memory_space<vmem_shared>>)
        tpu.yield
      }) : () -> ()
      %while3A_258 = arith.constant 0 : i32
      scf.yield %while3A_258 : i32
    }
    %while3A_118 = arith.constant 1 : i32
    %while3A_119 = scf.for %while3A_253 = %while3A_115 to %while3A_111 step %while3A_118 iter_args(%while3A_254 = %while3A_117) -> (i32)  : i32 {
      %mul3A_255 = arith.constant 80 : i32
      %mul3A_256 = arith.muli %while3A_253, %mul3A_255 : i32
      %add3A_257 = arith.addi %mul3A_108, %mul3A_256 : i32
      "tpu.region"() ({
        %run_scoped3A_259 = tpu.sem_alloc : memref<!tpu.dma_semaphore, #tpu.memory_space<semaphore_mem>>
        %dma_start3A_260 = arith.constant 0 : i32
        %dma_start3A_261 = tpu.memref_slice %arg20[%add3A_257, %dma_start3A_260] : memref<10000x128xf32, #tpu.memory_space<vmem_shared>> -> memref<80x128xf32, #tpu.memory_space<vmem_shared>>
        %dma_start3A_262 = arith.constant 0 : i32
        %dma_start3A_263 = tpu.memref_slice %arg20[%add3A_257, %dma_start3A_262] : memref<10000x128xf32, #tpu.memory_space<vmem_shared>> -> memref<80x128xf32, #tpu.memory_space<vmem_shared>>
        tpu.enqueue_dma source(%arg16 : memref<80x128xf32, #tpu.memory_space<vmem>>) target(%dma_start3A_263 : memref<80x128xf32, #tpu.memory_space<vmem_shared>>) target_semaphore(%run_scoped3A_259 : memref<!tpu.dma_semaphore, #tpu.memory_space<semaphore_mem>>)
        %dma_wait3A_264 = arith.constant 0 : i32
        %dma_wait3A_265 = tpu.memref_slice %arg20[%add3A_257, %dma_wait3A_264] : memref<10000x128xf32, #tpu.memory_space<vmem_shared>> -> memref<80x128xf32, #tpu.memory_space<vmem_shared>>
        %dma_wait3A_266 = arith.constant 0 : i32
        %dma_wait3A_267 = tpu.memref_slice %arg20[%add3A_257, %dma_wait3A_266] : memref<10000x128xf32, #tpu.memory_space<vmem_shared>> -> memref<80x128xf32, #tpu.memory_space<vmem_shared>>
        tpu.wait_dma2 semaphore(%run_scoped3A_259 : memref<!tpu.dma_semaphore, #tpu.memory_space<semaphore_mem>>) src(%arg16 : memref<80x128xf32, #tpu.memory_space<vmem>>) dst(%dma_wait3A_267 : memref<80x128xf32, #tpu.memory_space<vmem_shared>>)
        tpu.yield
      }) : () -> ()
      %while3A_258 = arith.constant 0 : i32
      scf.yield %while3A_258 : i32
    }
    %get3A_120 = arith.constant 0 : index
    %get3A_121 = tpu.vector_load %arg7[%get3A_120] {strides = array<i32>} : memref<80xi32, #tpu.memory_space<vmem>>, vector<16xi32>,
    %shift_right_logical3A = arith.constant 16 : i32
    %shift_right_logical3A_122 = vector.broadcast %shift_right_logical3A : i32 to vector<16xi32>
    %shift_right_logical3A_123 = arith.shrui %get3A_121, %shift_right_logical3A_122 : vector<16xi32>
    %swap3A_124 = arith.constant 0 : index
    %swap3A_125 = tpu.vector_load %arg13[%swap3A_124] {strides = array<i32>} : memref<80xi32, #tpu.memory_space<vmem>>, vector<16xi32>,
    tpu.vector_store %arg13[%swap3A_124], %shift_right_logical3A_123 {strides = array<i32>} : memref<80xi32, #tpu.memory_space<vmem>>, vector<16xi32>,
    %mul3A_126 = arith.constant 26844 : i32
    %mul3A_127 = vector.broadcast %mul3A_126 : i32 to vector<16xi32>
    %mul3A_128 = arith.muli %shift_right_logical3A_123, %mul3A_127 : vector<16xi32>
    %shift_right_logical3A_129 = arith.constant 24 : i32
    %shift_right_logical3A_130 = vector.broadcast %shift_right_logical3A_129 : i32 to vector<16xi32>
    %shift_right_logical3A_131 = arith.shrui %mul3A_128, %shift_right_logical3A_130 : vector<16xi32>
    %mul3A_132 = arith.constant 15 : i32
    %mul3A_133 = vector.broadcast %mul3A_132 : i32 to vector<16xi32>
    %mul3A_134 = arith.muli %mul3A_133, %shift_right_logical3A_131 : vector<16xi32>
    %add3A_135 = arith.addi %shift_right_logical3A_123, %mul3A_134 : vector<16xi32>
    %get3A_136 = arith.constant 0 : index
    %get3A_137 = tpu.vector_load %arg9[%get3A_136] {strides = array<i32>} : memref<80xf32, #tpu.memory_space<vmem>>, vector<16xf32>,
    tpu.vector_store_idx %arg17[%add3A_135], %get3A_137 {add = true} : memref<10240xf32, #tpu.memory_space<vmem>>[vector<16xi32>], vector<16xf32>,
    %get3A_138 = arith.constant 16 : index
    %get3A_139 = tpu.vector_load %arg7[%get3A_138] {strides = array<i32>} : memref<80xi32, #tpu.memory_space<vmem>>, vector<16xi32>,
    %shift_right_logical3A_140 = arith.constant 16 : i32
    %shift_right_logical3A_141 = vector.broadcast %shift_right_logical3A_140 : i32 to vector<16xi32>
    %shift_right_logical3A_142 = arith.shrui %get3A_139, %shift_right_logical3A_141 : vector<16xi32>
    %swap3A_143 = arith.constant 16 : index
    %swap3A_144 = tpu.vector_load %arg13[%swap3A_143] {strides = array<i32>} : memref<80xi32, #tpu.memory_space<vmem>>, vector<16xi32>,
    tpu.vector_store %arg13[%swap3A_143], %shift_right_logical3A_142 {strides = array<i32>} : memref<80xi32, #tpu.memory_space<vmem>>, vector<16xi32>,
    %mul3A_145 = arith.constant 26844 : i32
    %mul3A_146 = vector.broadcast %mul3A_145 : i32 to vector<16xi32>
    %mul3A_147 = arith.muli %shift_right_logical3A_142, %mul3A_146 : vector<16xi32>
    %shift_right_logical3A_148 = arith.constant 24 : i32
    %shift_right_logical3A_149 = vector.broadcast %shift_right_logical3A_148 : i32 to vector<16xi32>
    %shift_right_logical3A_150 = arith.shrui %mul3A_147, %shift_right_logical3A_149 : vector<16xi32>
    %mul3A_151 = arith.constant 15 : i32
    %mul3A_152 = vector.broadcast %mul3A_151 : i32 to vector<16xi32>
    %mul3A_153 = arith.muli %mul3A_152, %shift_right_logical3A_150 : vector<16xi32>
    %add3A_154 = arith.addi %shift_right_logical3A_142, %mul3A_153 : vector<16xi32>
    %get3A_155 = arith.constant 16 : index
    %get3A_156 = tpu.vector_load %arg9[%get3A_155] {strides = array<i32>} : memref<80xf32, #tpu.memory_space<vmem>>, vector<16xf32>,
    tpu.vector_store_idx %arg17[%add3A_154], %get3A_156 {add = true} : memref<10240xf32, #tpu.memory_space<vmem>>[vector<16xi32>], vector<16xf32>,
    %get3A_157 = arith.constant 32 : index
    %get3A_158 = tpu.vector_load %arg7[%get3A_157] {strides = array<i32>} : memref<80xi32, #tpu.memory_space<vmem>>, vector<16xi32>,
    %shift_right_logical3A_159 = arith.constant 16 : i32
    %shift_right_logical3A_160 = vector.broadcast %shift_right_logical3A_159 : i32 to vector<16xi32>
    %shift_right_logical3A_161 = arith.shrui %get3A_158, %shift_right_logical3A_160 : vector<16xi32>
    %swap3A_162 = arith.constant 32 : index
    %swap3A_163 = tpu.vector_load %arg13[%swap3A_162] {strides = array<i32>} : memref<80xi32, #tpu.memory_space<vmem>>, vector<16xi32>,
    tpu.vector_store %arg13[%swap3A_162], %shift_right_logical3A_161 {strides = array<i32>} : memref<80xi32, #tpu.memory_space<vmem>>, vector<16xi32>,
    %mul3A_164 = arith.constant 26844 : i32
    %mul3A_165 = vector.broadcast %mul3A_164 : i32 to vector<16xi32>
    %mul3A_166 = arith.muli %shift_right_logical3A_161, %mul3A_165 : vector<16xi32>
    %shift_right_logical3A_167 = arith.constant 24 : i32
    %shift_right_logical3A_168 = vector.broadcast %shift_right_logical3A_167 : i32 to vector<16xi32>
    %shift_right_logical3A_169 = arith.shrui %mul3A_166, %shift_right_logical3A_168 : vector<16xi32>
    %mul3A_170 = arith.constant 15 : i32
    %mul3A_171 = vector.broadcast %mul3A_170 : i32 to vector<16xi32>
    %mul3A_172 = arith.muli %mul3A_171, %shift_right_logical3A_169 : vector<16xi32>
    %add3A_173 = arith.addi %shift_right_logical3A_161, %mul3A_172 : vector<16xi32>
    %get3A_174 = arith.constant 32 : index
    %get3A_175 = tpu.vector_load %arg9[%get3A_174] {strides = array<i32>} : memref<80xf32, #tpu.memory_space<vmem>>, vector<16xf32>,
    tpu.vector_store_idx %arg17[%add3A_173], %get3A_175 {add = true} : memref<10240xf32, #tpu.memory_space<vmem>>[vector<16xi32>], vector<16xf32>,
    %get3A_176 = arith.constant 48 : index
    %get3A_177 = tpu.vector_load %arg7[%get3A_176] {strides = array<i32>} : memref<80xi32, #tpu.memory_space<vmem>>, vector<16xi32>,
    %shift_right_logical3A_178 = arith.constant 16 : i32
    %shift_right_logical3A_179 = vector.broadcast %shift_right_logical3A_178 : i32 to vector<16xi32>
    %shift_right_logical3A_180 = arith.shrui %get3A_177, %shift_right_logical3A_179 : vector<16xi32>
    %swap3A_181 = arith.constant 48 : index
    %swap3A_182 = tpu.vector_load %arg13[%swap3A_181] {strides = array<i32>} : memref<80xi32, #tpu.memory_space<vmem>>, vector<16xi32>,
    tpu.vector_store %arg13[%swap3A_181], %shift_right_logical3A_180 {strides = array<i32>} : memref<80xi32, #tpu.memory_space<vmem>>, vector<16xi32>,
    %mul3A_183 = arith.constant 26844 : i32
    %mul3A_184 = vector.broadcast %mul3A_183 : i32 to vector<16xi32>
    %mul3A_185 = arith.muli %shift_right_logical3A_180, %mul3A_184 : vector<16xi32>
    %shift_right_logical3A_186 = arith.constant 24 : i32
    %shift_right_logical3A_187 = vector.broadcast %shift_right_logical3A_186 : i32 to vector<16xi32>
    %shift_right_logical3A_188 = arith.shrui %mul3A_185, %shift_right_logical3A_187 : vector<16xi32>
    %mul3A_189 = arith.constant 15 : i32
    %mul3A_190 = vector.broadcast %mul3A_189 : i32 to vector<16xi32>
    %mul3A_191 = arith.muli %mul3A_190, %shift_right_logical3A_188 : vector<16xi32>
    %add3A_192 = arith.addi %shift_right_logical3A_180, %mul3A_191 : vector<16xi32>
    %get3A_193 = arith.constant 48 : index
    %get3A_194 = tpu.vector_load %arg9[%get3A_193] {strides = array<i32>} : memref<80xf32, #tpu.memory_space<vmem>>, vector<16xf32>,
    tpu.vector_store_idx %arg17[%add3A_192], %get3A_194 {add = true} : memref<10240xf32, #tpu.memory_space<vmem>>[vector<16xi32>], vector<16xf32>,
    %get3A_195 = arith.constant 64 : index
    %get3A_196 = tpu.vector_load %arg7[%get3A_195] {strides = array<i32>} : memref<80xi32, #tpu.memory_space<vmem>>, vector<16xi32>,
    %shift_right_logical3A_197 = arith.constant 16 : i32
    %shift_right_logical3A_198 = vector.broadcast %shift_right_logical3A_197 : i32 to vector<16xi32>
    %shift_right_logical3A_199 = arith.shrui %get3A_196, %shift_right_logical3A_198 : vector<16xi32>
    %swap3A_200 = arith.constant 64 : index
    %swap3A_201 = tpu.vector_load %arg13[%swap3A_200] {strides = array<i32>} : memref<80xi32, #tpu.memory_space<vmem>>, vector<16xi32>,
    tpu.vector_store %arg13[%swap3A_200], %shift_right_logical3A_199 {strides = array<i32>} : memref<80xi32, #tpu.memory_space<vmem>>, vector<16xi32>,
    %mul3A_202 = arith.constant 26844 : i32
    %mul3A_203 = vector.broadcast %mul3A_202 : i32 to vector<16xi32>
    %mul3A_204 = arith.muli %shift_right_logical3A_199, %mul3A_203 : vector<16xi32>
    %shift_right_logical3A_205 = arith.constant 24 : i32
    %shift_right_logical3A_206 = vector.broadcast %shift_right_logical3A_205 : i32 to vector<16xi32>
    %shift_right_logical3A_207 = arith.shrui %mul3A_204, %shift_right_logical3A_206 : vector<16xi32>
    %mul3A_208 = arith.constant 15 : i32
    %mul3A_209 = vector.broadcast %mul3A_208 : i32 to vector<16xi32>
    %mul3A_210 = arith.muli %mul3A_209, %shift_right_logical3A_207 : vector<16xi32>
    %add3A_211 = arith.addi %shift_right_logical3A_199, %mul3A_210 : vector<16xi32>
    %get3A_212 = arith.constant 64 : index
    %get3A_213 = tpu.vector_load %arg9[%get3A_212] {strides = array<i32>} : memref<80xf32, #tpu.memory_space<vmem>>, vector<16xf32>,
    tpu.vector_store_idx %arg17[%add3A_211], %get3A_213 {add = true} : memref<10240xf32, #tpu.memory_space<vmem>>[vector<16xi32>], vector<16xf32>,
    %barrier3A = arith.constant 0 : index
    tpu.barrier barrier_id(%barrier3A)
    %scan3A_214 = arith.constant 0 : i32
    %scan3A_215 = arith.constant 0 : i32
    %scan3A_216 = arith.constant 62 : i32
    %scan3A_217 = arith.addi %scan3A_215, %scan3A_216 : i32
    %scan3A_218 = arith.constant 1 : i32
    %scan3A_219 = scf.for %scan3A_253 = %scan3A_215 to %scan3A_217 step %scan3A_218 iter_args(%scan3A_254 = %scan3A_214) -> (i32)  : i32 {
      %mul3A_255 = arith.constant 2 : i32
      %mul3A_256 = arith.muli %mul3A_255, %scan3A_253 : i32
      %lt3A_257 = arith.constant 123 : i32
      %lt3A_258 = arith.cmpi slt, %mul3A_256, %lt3A_257 : i32
      %convert_element_type3A_259 = arith.extui %lt3A_258 : i1 to i32
      %cond3A_260 = arith.constant 0 : i32
      %cond3A_261 = arith.cmpi ne, %convert_element_type3A_259, %cond3A_260 : i32
      scf.if %cond3A_261 {
        %add3A_294 = arith.constant 2 : i32
        %add3A_295 = arith.addi %mul3A_256, %add3A_294 : i32
        %dma_start3A_296 = arith.constant 0 : i32
        %dma_start3A_297 = arith.constant 0 : i32
        %dma_start3A_298 = tpu.memref_slice %arg3[%arg1, %add3A_295, %dma_start3A_296, %dma_start3A_297] : memref<16x125x1x80xi32, #tpu.memory_space<hbm>> -> memref<1x1x1x80xi32, #tpu.memory_space<hbm>>
        %dma_start3A_299 = tpu.memref_squeeze %dma_start3A_298 : memref<1x1x1x80xi32, #tpu.memory_space<hbm>> -> memref<80xi32, #tpu.memory_space<hbm>>
        %dma_start3A_300 = arith.constant 0 : i32
        %dma_start3A_301 = tpu.memref_slice %arg3[%arg1, %add3A_295, %dma_start3A_296, %dma_start3A_300] : memref<16x125x1x80xi32, #tpu.memory_space<hbm>> -> memref<1x1x1x80xi32, #tpu.memory_space<hbm>>
        %dma_start3A_302 = tpu.memref_squeeze %dma_start3A_301 : memref<1x1x1x80xi32, #tpu.memory_space<hbm>> -> memref<80xi32, #tpu.memory_space<hbm>>
        tpu.enqueue_dma source(%dma_start3A_302 : memref<80xi32, #tpu.memory_space<hbm>>) target(%arg7 : memref<80xi32, #tpu.memory_space<vmem>>) target_semaphore(%arg22 : memref<!tpu.dma_semaphore, #tpu.memory_space<semaphore_mem>>)
        %dma_start3A_303 = arith.constant 0 : i32
        %dma_start3A_304 = arith.constant 0 : i32
        %dma_start3A_305 = tpu.memref_slice %arg4[%arg0, %arg1, %add3A_295, %dma_start3A_303, %dma_start3A_304] : memref<2x16x125x1x80xf32, #tpu.memory_space<hbm>> -> memref<1x1x1x1x80xf32, #tpu.memory_space<hbm>>
        %dma_start3A_306 = tpu.memref_squeeze %dma_start3A_305 : memref<1x1x1x1x80xf32, #tpu.memory_space<hbm>> -> memref<80xf32, #tpu.memory_space<hbm>>
        %dma_start3A_307 = arith.constant 0 : i32
        %dma_start3A_308 = tpu.memref_slice %arg4[%arg0, %arg1, %add3A_295, %dma_start3A_303, %dma_start3A_307] : memref<2x16x125x1x80xf32, #tpu.memory_space<hbm>> -> memref<1x1x1x1x80xf32, #tpu.memory_space<hbm>>
        %dma_start3A_309 = tpu.memref_squeeze %dma_start3A_308 : memref<1x1x1x1x80xf32, #tpu.memory_space<hbm>> -> memref<80xf32, #tpu.memory_space<hbm>>
        tpu.enqueue_dma source(%dma_start3A_309 : memref<80xf32, #tpu.memory_space<hbm>>) target(%arg9 : memref<80xf32, #tpu.memory_space<vmem>>) target_semaphore(%arg22 : memref<!tpu.dma_semaphore, #tpu.memory_space<semaphore_mem>>)
      } else {
      }
      %dma_wait3A_262 = arith.constant 0 : i32
      %dma_wait3A_263 = arith.constant 0 : i32
      %dma_wait3A_264 = tpu.memref_slice %arg2[%dma_wait3A_262, %dma_wait3A_263] : memref<20000x128xf32, #tpu.memory_space<hbm>> -> memref<20000x128xf32, #tpu.memory_space<hbm>>
      tpu.wait_indirect_dma semaphore(%arg24 : memref<!tpu.dma_semaphore, #tpu.memory_space<semaphore_mem>>) src(%dma_wait3A_264 : memref<20000x128xf32, #tpu.memory_space<hbm>>) dst(%arg15 : memref<80x128xf32, #tpu.memory_space<vmem>>)
      %dma_start3A_265 = arith.constant 0 : i32
      %dma_start3A_266 = arith.constant 0 : i32
      %dma_start3A_267 = tpu.memref_slice %arg20[%dma_start3A_265, %dma_start3A_266] : memref<10000x128xf32, #tpu.memory_space<vmem_shared>> -> memref<10000x128xf32, #tpu.memory_space<vmem_shared>>
      tpu.enqueue_indirect_dma source(%arg15 : memref<80x128xf32, #tpu.memory_space<vmem>>) target(%dma_start3A_267 : memref<10000x128xf32, #tpu.memory_space<vmem_shared>>) offsets(%arg13 : memref<80xi32, #tpu.memory_space<vmem>>) semaphore(%arg26 : memref<!tpu.dma_semaphore, #tpu.memory_space<semaphore_mem>>) {add = true}
      %lt3A_268 = arith.constant 124 : i32
      %lt3A_269 = arith.cmpi slt, %mul3A_256, %lt3A_268 : i32
      %convert_element_type3A_270 = arith.extui %lt3A_269 : i1 to i32
      %cond3A_271 = arith.constant 0 : i32
      %cond3A_272 = arith.cmpi ne, %convert_element_type3A_270, %cond3A_271 : i32
      scf.if %cond3A_272 {
        %dma_wait3A_294 = arith.constant 0 : i32
        %dma_wait3A_295 = arith.constant 0 : i32
        %dma_wait3A_296 = arith.constant 0 : i32
        %dma_wait3A_297 = tpu.memref_slice %arg3[%arg1, %dma_wait3A_294, %dma_wait3A_295, %dma_wait3A_296] : memref<16x125x1x80xi32, #tpu.memory_space<hbm>> -> memref<1x1x1x80xi32, #tpu.memory_space<hbm>>
        %dma_wait3A_298 = tpu.memref_squeeze %dma_wait3A_297 : memref<1x1x1x80xi32, #tpu.memory_space<hbm>> -> memref<80xi32, #tpu.memory_space<hbm>>
        %dma_wait3A_299 = arith.constant 0 : i32
        %dma_wait3A_300 = tpu.memref_slice %arg3[%arg1, %dma_wait3A_294, %dma_wait3A_295, %dma_wait3A_299] : memref<16x125x1x80xi32, #tpu.memory_space<hbm>> -> memref<1x1x1x80xi32, #tpu.memory_space<hbm>>
        %dma_wait3A_301 = tpu.memref_squeeze %dma_wait3A_300 : memref<1x1x1x80xi32, #tpu.memory_space<hbm>> -> memref<80xi32, #tpu.memory_space<hbm>>
        tpu.wait_dma2 semaphore(%arg23 : memref<!tpu.dma_semaphore, #tpu.memory_space<semaphore_mem>>) src(%dma_wait3A_301 : memref<80xi32, #tpu.memory_space<hbm>>) dst(%arg8 : memref<80xi32, #tpu.memory_space<vmem>>)
        %dma_wait3A_302 = arith.constant 0 : i32
        %dma_wait3A_303 = arith.constant 0 : i32
        %dma_wait3A_304 = arith.constant 0 : i32
        %dma_wait3A_305 = tpu.memref_slice %arg4[%arg0, %arg1, %dma_wait3A_302, %dma_wait3A_303, %dma_wait3A_304] : memref<2x16x125x1x80xf32, #tpu.memory_space<hbm>> -> memref<1x1x1x1x80xf32, #tpu.memory_space<hbm>>
        %dma_wait3A_306 = tpu.memref_squeeze %dma_wait3A_305 : memref<1x1x1x1x80xf32, #tpu.memory_space<hbm>> -> memref<80xf32, #tpu.memory_space<hbm>>
        %dma_wait3A_307 = arith.constant 0 : i32
        %dma_wait3A_308 = tpu.memref_slice %arg4[%arg0, %arg1, %dma_wait3A_302, %dma_wait3A_303, %dma_wait3A_307] : memref<2x16x125x1x80xf32, #tpu.memory_space<hbm>> -> memref<1x1x1x1x80xf32, #tpu.memory_space<hbm>>
        %dma_wait3A_309 = tpu.memref_squeeze %dma_wait3A_308 : memref<1x1x1x1x80xf32, #tpu.memory_space<hbm>> -> memref<80xf32, #tpu.memory_space<hbm>>
        tpu.wait_dma2 semaphore(%arg23 : memref<!tpu.dma_semaphore, #tpu.memory_space<semaphore_mem>>) src(%dma_wait3A_309 : memref<80xf32, #tpu.memory_space<hbm>>) dst(%arg10 : memref<80xf32, #tpu.memory_space<vmem>>)
        %get3A_310 = arith.constant 0 : index
        %get3A_311 = tpu.vector_load %arg8[%get3A_310] {strides = array<i32>} : memref<80xi32, #tpu.memory_space<vmem>>, vector<16xi32>,
        %and3A_312 = arith.constant 65535 : i32
        %and3A_313 = vector.broadcast %and3A_312 : i32 to vector<16xi32>
        %and3A_314 = arith.andi %get3A_311, %and3A_313 : vector<16xi32>
        %add3A_315 = vector.broadcast %mul3A_1 : i32 to vector<16xi32>
        %add3A_316 = arith.addi %and3A_314, %add3A_315 : vector<16xi32>
        %swap3A_317 = arith.constant 0 : index
        %swap3A_318 = tpu.vector_load %arg12[%swap3A_317] {strides = array<i32>} : memref<80xi32, #tpu.memory_space<vmem>>, vector<16xi32>,
        tpu.vector_store %arg12[%swap3A_317], %add3A_316 {strides = array<i32>} : memref<80xi32, #tpu.memory_space<vmem>>, vector<16xi32>,
        %get3A_319 = arith.constant 16 : index
        %get3A_320 = tpu.vector_load %arg8[%get3A_319] {strides = array<i32>} : memref<80xi32, #tpu.memory_space<vmem>>, vector<16xi32>,
        %and3A_321 = arith.constant 65535 : i32
        %and3A_322 = vector.broadcast %and3A_321 : i32 to vector<16xi32>
        %and3A_323 = arith.andi %get3A_320, %and3A_322 : vector<16xi32>
        %add3A_324 = vector.broadcast %mul3A_1 : i32 to vector<16xi32>
        %add3A_325 = arith.addi %and3A_323, %add3A_324 : vector<16xi32>
        %swap3A_326 = arith.constant 16 : index
        %swap3A_327 = tpu.vector_load %arg12[%swap3A_326] {strides = array<i32>} : memref<80xi32, #tpu.memory_space<vmem>>, vector<16xi32>,
        tpu.vector_store %arg12[%swap3A_326], %add3A_325 {strides = array<i32>} : memref<80xi32, #tpu.memory_space<vmem>>, vector<16xi32>,
        %get3A_328 = arith.constant 32 : index
        %get3A_329 = tpu.vector_load %arg8[%get3A_328] {strides = array<i32>} : memref<80xi32, #tpu.memory_space<vmem>>, vector<16xi32>,
        %and3A_330 = arith.constant 65535 : i32
        %and3A_331 = vector.broadcast %and3A_330 : i32 to vector<16xi32>
        %and3A_332 = arith.andi %get3A_329, %and3A_331 : vector<16xi32>
        %add3A_333 = vector.broadcast %mul3A_1 : i32 to vector<16xi32>
        %add3A_334 = arith.addi %and3A_332, %add3A_333 : vector<16xi32>
        %swap3A_335 = arith.constant 32 : index
        %swap3A_336 = tpu.vector_load %arg12[%swap3A_335] {strides = array<i32>} : memref<80xi32, #tpu.memory_space<vmem>>, vector<16xi32>,
        tpu.vector_store %arg12[%swap3A_335], %add3A_334 {strides = array<i32>} : memref<80xi32, #tpu.memory_space<vmem>>, vector<16xi32>,
        %get3A_337 = arith.constant 48 : index
        %get3A_338 = tpu.vector_load %arg8[%get3A_337] {strides = array<i32>} : memref<80xi32, #tpu.memory_space<vmem>>, vector<16xi32>,
        %and3A_339 = arith.constant 65535 : i32
        %and3A_340 = vector.broadcast %and3A_339 : i32 to vector<16xi32>
        %and3A_341 = arith.andi %get3A_338, %and3A_340 : vector<16xi32>
        %add3A_342 = vector.broadcast %mul3A_1 : i32 to vector<16xi32>
        %add3A_343 = arith.addi %and3A_341, %add3A_342 : vector<16xi32>
        %swap3A_344 = arith.constant 48 : index
        %swap3A_345 = tpu.vector_load %arg12[%swap3A_344] {strides = array<i32>} : memref<80xi32, #tpu.memory_space<vmem>>, vector<16xi32>,
        tpu.vector_store %arg12[%swap3A_344], %add3A_343 {strides = array<i32>} : memref<80xi32, #tpu.memory_space<vmem>>, vector<16xi32>,
        %get3A_346 = arith.constant 64 : index
        %get3A_347 = tpu.vector_load %arg8[%get3A_346] {strides = array<i32>} : memref<80xi32, #tpu.memory_space<vmem>>, vector<16xi32>,
        %and3A_348 = arith.constant 65535 : i32
        %and3A_349 = vector.broadcast %and3A_348 : i32 to vector<16xi32>
        %and3A_350 = arith.andi %get3A_347, %and3A_349 : vector<16xi32>
        %add3A_351 = vector.broadcast %mul3A_1 : i32 to vector<16xi32>
        %add3A_352 = arith.addi %and3A_350, %add3A_351 : vector<16xi32>
        %swap3A_353 = arith.constant 64 : index
        %swap3A_354 = tpu.vector_load %arg12[%swap3A_353] {strides = array<i32>} : memref<80xi32, #tpu.memory_space<vmem>>, vector<16xi32>,
        tpu.vector_store %arg12[%swap3A_353], %add3A_352 {strides = array<i32>} : memref<80xi32, #tpu.memory_space<vmem>>, vector<16xi32>,
        %gt3A = arith.constant 0 : i32
        %gt3A_355 = arith.cmpi sgt, %mul3A_256, %gt3A : i32
        %convert_element_type3A_356 = arith.extui %gt3A_355 : i1 to i32
        %cond3A_357 = arith.constant 0 : i32
        %cond3A_358 = arith.cmpi ne, %convert_element_type3A_356, %cond3A_357 : i32
        scf.if %cond3A_358 {
          %dma_wait3A_457 = arith.constant 0 : i32
          %dma_wait3A_458 = arith.constant 0 : i32
          %dma_wait3A_459 = tpu.memref_slice %arg20[%dma_wait3A_457, %dma_wait3A_458] : memref<10000x128xf32, #tpu.memory_space<vmem_shared>> -> memref<10000x128xf32, #tpu.memory_space<vmem_shared>>
          tpu.wait_indirect_dma semaphore(%arg27 : memref<!tpu.dma_semaphore, #tpu.memory_space<semaphore_mem>>) src(%arg16 : memref<80x128xf32, #tpu.memory_space<vmem>>) dst(%dma_wait3A_459 : memref<10000x128xf32, #tpu.memory_space<vmem_shared>>)
        } else {
        }
        %dma_start3A_359 = arith.constant 0 : i32
        %dma_start3A_360 = arith.constant 0 : i32
        %dma_start3A_361 = tpu.memref_slice %arg2[%dma_start3A_359, %dma_start3A_360] : memref<20000x128xf32, #tpu.memory_space<hbm>> -> memref<20000x128xf32, #tpu.memory_space<hbm>>
        tpu.enqueue_indirect_dma source(%dma_start3A_361 : memref<20000x128xf32, #tpu.memory_space<hbm>>) target(%arg16 : memref<80x128xf32, #tpu.memory_space<vmem>>) offsets(%arg12 : memref<80xi32, #tpu.memory_space<vmem>>) semaphore(%arg25 : memref<!tpu.dma_semaphore, #tpu.memory_space<semaphore_mem>>)
        %get3A_362 = arith.constant 0 : index
        %get3A_363 = tpu.vector_load %arg8[%get3A_362] {strides = array<i32>} : memref<80xi32, #tpu.memory_space<vmem>>, vector<16xi32>,
        %shift_right_logical3A_364 = arith.constant 16 : i32
        %shift_right_logical3A_365 = vector.broadcast %shift_right_logical3A_364 : i32 to vector<16xi32>
        %shift_right_logical3A_366 = arith.shrui %get3A_363, %shift_right_logical3A_365 : vector<16xi32>
        %swap3A_367 = arith.constant 0 : index
        %swap3A_368 = tpu.vector_load %arg14[%swap3A_367] {strides = array<i32>} : memref<80xi32, #tpu.memory_space<vmem>>, vector<16xi32>,
        tpu.vector_store %arg14[%swap3A_367], %shift_right_logical3A_366 {strides = array<i32>} : memref<80xi32, #tpu.memory_space<vmem>>, vector<16xi32>,
        %mul3A_369 = arith.constant 26844 : i32
        %mul3A_370 = vector.broadcast %mul3A_369 : i32 to vector<16xi32>
        %mul3A_371 = arith.muli %shift_right_logical3A_366, %mul3A_370 : vector<16xi32>
        %shift_right_logical3A_372 = arith.constant 24 : i32
        %shift_right_logical3A_373 = vector.broadcast %shift_right_logical3A_372 : i32 to vector<16xi32>
        %shift_right_logical3A_374 = arith.shrui %mul3A_371, %shift_right_logical3A_373 : vector<16xi32>
        %mul3A_375 = arith.constant 15 : i32
        %mul3A_376 = vector.broadcast %mul3A_375 : i32 to vector<16xi32>
        %mul3A_377 = arith.muli %mul3A_376, %shift_right_logical3A_374 : vector<16xi32>
        %add3A_378 = arith.addi %shift_right_logical3A_366, %mul3A_377 : vector<16xi32>
        %get3A_379 = arith.constant 0 : index
        %get3A_380 = tpu.vector_load %arg10[%get3A_379] {strides = array<i32>} : memref<80xf32, #tpu.memory_space<vmem>>, vector<16xf32>,
        tpu.vector_store_idx %arg17[%add3A_378], %get3A_380 {add = true} : memref<10240xf32, #tpu.memory_space<vmem>>[vector<16xi32>], vector<16xf32>,
        %get3A_381 = arith.constant 16 : index
        %get3A_382 = tpu.vector_load %arg8[%get3A_381] {strides = array<i32>} : memref<80xi32, #tpu.memory_space<vmem>>, vector<16xi32>,
        %shift_right_logical3A_383 = arith.constant 16 : i32
        %shift_right_logical3A_384 = vector.broadcast %shift_right_logical3A_383 : i32 to vector<16xi32>
        %shift_right_logical3A_385 = arith.shrui %get3A_382, %shift_right_logical3A_384 : vector<16xi32>
        %swap3A_386 = arith.constant 16 : index
        %swap3A_387 = tpu.vector_load %arg14[%swap3A_386] {strides = array<i32>} : memref<80xi32, #tpu.memory_space<vmem>>, vector<16xi32>,
        tpu.vector_store %arg14[%swap3A_386], %shift_right_logical3A_385 {strides = array<i32>} : memref<80xi32, #tpu.memory_space<vmem>>, vector<16xi32>,
        %mul3A_388 = arith.constant 26844 : i32
        %mul3A_389 = vector.broadcast %mul3A_388 : i32 to vector<16xi32>
        %mul3A_390 = arith.muli %shift_right_logical3A_385, %mul3A_389 : vector<16xi32>
        %shift_right_logical3A_391 = arith.constant 24 : i32
        %shift_right_logical3A_392 = vector.broadcast %shift_right_logical3A_391 : i32 to vector<16xi32>
        %shift_right_logical3A_393 = arith.shrui %mul3A_390, %shift_right_logical3A_392 : vector<16xi32>
        %mul3A_394 = arith.constant 15 : i32
        %mul3A_395 = vector.broadcast %mul3A_394 : i32 to vector<16xi32>
        %mul3A_396 = arith.muli %mul3A_395, %shift_right_logical3A_393 : vector<16xi32>
        %add3A_397 = arith.addi %shift_right_logical3A_385, %mul3A_396 : vector<16xi32>
        %get3A_398 = arith.constant 16 : index
        %get3A_399 = tpu.vector_load %arg10[%get3A_398] {strides = array<i32>} : memref<80xf32, #tpu.memory_space<vmem>>, vector<16xf32>,
        tpu.vector_store_idx %arg17[%add3A_397], %get3A_399 {add = true} : memref<10240xf32, #tpu.memory_space<vmem>>[vector<16xi32>], vector<16xf32>,
        %get3A_400 = arith.constant 32 : index
        %get3A_401 = tpu.vector_load %arg8[%get3A_400] {strides = array<i32>} : memref<80xi32, #tpu.memory_space<vmem>>, vector<16xi32>,
        %shift_right_logical3A_402 = arith.constant 16 : i32
        %shift_right_logical3A_403 = vector.broadcast %shift_right_logical3A_402 : i32 to vector<16xi32>
        %shift_right_logical3A_404 = arith.shrui %get3A_401, %shift_right_logical3A_403 : vector<16xi32>
        %swap3A_405 = arith.constant 32 : index
        %swap3A_406 = tpu.vector_load %arg14[%swap3A_405] {strides = array<i32>} : memref<80xi32, #tpu.memory_space<vmem>>, vector<16xi32>,
        tpu.vector_store %arg14[%swap3A_405], %shift_right_logical3A_404 {strides = array<i32>} : memref<80xi32, #tpu.memory_space<vmem>>, vector<16xi32>,
        %mul3A_407 = arith.constant 26844 : i32
        %mul3A_408 = vector.broadcast %mul3A_407 : i32 to vector<16xi32>
        %mul3A_409 = arith.muli %shift_right_logical3A_404, %mul3A_408 : vector<16xi32>
        %shift_right_logical3A_410 = arith.constant 24 : i32
        %shift_right_logical3A_411 = vector.broadcast %shift_right_logical3A_410 : i32 to vector<16xi32>
        %shift_right_logical3A_412 = arith.shrui %mul3A_409, %shift_right_logical3A_411 : vector<16xi32>
        %mul3A_413 = arith.constant 15 : i32
        %mul3A_414 = vector.broadcast %mul3A_413 : i32 to vector<16xi32>
        %mul3A_415 = arith.muli %mul3A_414, %shift_right_logical3A_412 : vector<16xi32>
        %add3A_416 = arith.addi %shift_right_logical3A_404, %mul3A_415 : vector<16xi32>
        %get3A_417 = arith.constant 32 : index
        %get3A_418 = tpu.vector_load %arg10[%get3A_417] {strides = array<i32>} : memref<80xf32, #tpu.memory_space<vmem>>, vector<16xf32>,
        tpu.vector_store_idx %arg17[%add3A_416], %get3A_418 {add = true} : memref<10240xf32, #tpu.memory_space<vmem>>[vector<16xi32>], vector<16xf32>,
        %get3A_419 = arith.constant 48 : index
        %get3A_420 = tpu.vector_load %arg8[%get3A_419] {strides = array<i32>} : memref<80xi32, #tpu.memory_space<vmem>>, vector<16xi32>,
        %shift_right_logical3A_421 = arith.constant 16 : i32
        %shift_right_logical3A_422 = vector.broadcast %shift_right_logical3A_421 : i32 to vector<16xi32>
        %shift_right_logical3A_423 = arith.shrui %get3A_420, %shift_right_logical3A_422 : vector<16xi32>
        %swap3A_424 = arith.constant 48 : index
        %swap3A_425 = tpu.vector_load %arg14[%swap3A_424] {strides = array<i32>} : memref<80xi32, #tpu.memory_space<vmem>>, vector<16xi32>,
        tpu.vector_store %arg14[%swap3A_424], %shift_right_logical3A_423 {strides = array<i32>} : memref<80xi32, #tpu.memory_space<vmem>>, vector<16xi32>,
        %mul3A_426 = arith.constant 26844 : i32
        %mul3A_427 = vector.broadcast %mul3A_426 : i32 to vector<16xi32>
        %mul3A_428 = arith.muli %shift_right_logical3A_423, %mul3A_427 : vector<16xi32>
        %shift_right_logical3A_429 = arith.constant 24 : i32
        %shift_right_logical3A_430 = vector.broadcast %shift_right_logical3A_429 : i32 to vector<16xi32>
        %shift_right_logical3A_431 = arith.shrui %mul3A_428, %shift_right_logical3A_430 : vector<16xi32>
        %mul3A_432 = arith.constant 15 : i32
        %mul3A_433 = vector.broadcast %mul3A_432 : i32 to vector<16xi32>
        %mul3A_434 = arith.muli %mul3A_433, %shift_right_logical3A_431 : vector<16xi32>
        %add3A_435 = arith.addi %shift_right_logical3A_423, %mul3A_434 : vector<16xi32>
        %get3A_436 = arith.constant 48 : index
        %get3A_437 = tpu.vector_load %arg10[%get3A_436] {strides = array<i32>} : memref<80xf32, #tpu.memory_space<vmem>>, vector<16xf32>,
        tpu.vector_store_idx %arg17[%add3A_435], %get3A_437 {add = true} : memref<10240xf32, #tpu.memory_space<vmem>>[vector<16xi32>], vector<16xf32>,
        %get3A_438 = arith.constant 64 : index
        %get3A_439 = tpu.vector_load %arg8[%get3A_438] {strides = array<i32>} : memref<80xi32, #tpu.memory_space<vmem>>, vector<16xi32>,
        %shift_right_logical3A_440 = arith.constant 16 : i32
        %shift_right_logical3A_441 = vector.broadcast %shift_right_logical3A_440 : i32 to vector<16xi32>
        %shift_right_logical3A_442 = arith.shrui %get3A_439, %shift_right_logical3A_441 : vector<16xi32>
        %swap3A_443 = arith.constant 64 : index
        %swap3A_444 = tpu.vector_load %arg14[%swap3A_443] {strides = array<i32>} : memref<80xi32, #tpu.memory_space<vmem>>, vector<16xi32>,
        tpu.vector_store %arg14[%swap3A_443], %shift_right_logical3A_442 {strides = array<i32>} : memref<80xi32, #tpu.memory_space<vmem>>, vector<16xi32>,
        %mul3A_445 = arith.constant 26844 : i32
        %mul3A_446 = vector.broadcast %mul3A_445 : i32 to vector<16xi32>
        %mul3A_447 = arith.muli %shift_right_logical3A_442, %mul3A_446 : vector<16xi32>
        %shift_right_logical3A_448 = arith.constant 24 : i32
        %shift_right_logical3A_449 = vector.broadcast %shift_right_logical3A_448 : i32 to vector<16xi32>
        %shift_right_logical3A_450 = arith.shrui %mul3A_447, %shift_right_logical3A_449 : vector<16xi32>
        %mul3A_451 = arith.constant 15 : i32
        %mul3A_452 = vector.broadcast %mul3A_451 : i32 to vector<16xi32>
        %mul3A_453 = arith.muli %mul3A_452, %shift_right_logical3A_450 : vector<16xi32>
        %add3A_454 = arith.addi %shift_right_logical3A_442, %mul3A_453 : vector<16xi32>
        %get3A_455 = arith.constant 64 : index
        %get3A_456 = tpu.vector_load %arg10[%get3A_455] {strides = array<i32>} : memref<80xf32, #tpu.memory_space<vmem>>, vector<16xf32>,
        tpu.vector_store_idx %arg17[%add3A_454], %get3A_456 {add = true} : memref<10240xf32, #tpu.memory_space<vmem>>[vector<16xi32>], vector<16xf32>,
      } else {
      }
      %mul3A_273 = arith.constant 2 : i32
      %mul3A_274 = arith.muli %mul3A_273, %scan3A_253 : i32
      %add3A_275 = arith.constant 1 : i32
      %add3A_276 = arith.addi %mul3A_274, %add3A_275 : i32
      %lt3A_277 = arith.constant 123 : i32
      %lt3A_278 = arith.cmpi slt, %add3A_276, %lt3A_277 : i32
      %convert_element_type3A_279 = arith.extui %lt3A_278 : i1 to i32
      %cond3A_280 = arith.constant 0 : i32
      %cond3A_281 = arith.cmpi ne, %convert_element_type3A_279, %cond3A_280 : i32
      scf.if %cond3A_281 {
        %add3A_294 = arith.constant 2 : i32
        %add3A_295 = arith.addi %add3A_276, %add3A_294 : i32
        %dma_start3A_296 = arith.constant 0 : i32
        %dma_start3A_297 = arith.constant 0 : i32
        %dma_start3A_298 = tpu.memref_slice %arg3[%arg1, %add3A_295, %dma_start3A_296, %dma_start3A_297] : memref<16x125x1x80xi32, #tpu.memory_space<hbm>> -> memref<1x1x1x80xi32, #tpu.memory_space<hbm>>
        %dma_start3A_299 = tpu.memref_squeeze %dma_start3A_298 : memref<1x1x1x80xi32, #tpu.memory_space<hbm>> -> memref<80xi32, #tpu.memory_space<hbm>>
        %dma_start3A_300 = arith.constant 0 : i32
        %dma_start3A_301 = tpu.memref_slice %arg3[%arg1, %add3A_295, %dma_start3A_296, %dma_start3A_300] : memref<16x125x1x80xi32, #tpu.memory_space<hbm>> -> memref<1x1x1x80xi32, #tpu.memory_space<hbm>>
        %dma_start3A_302 = tpu.memref_squeeze %dma_start3A_301 : memref<1x1x1x80xi32, #tpu.memory_space<hbm>> -> memref<80xi32, #tpu.memory_space<hbm>>
        tpu.enqueue_dma source(%dma_start3A_302 : memref<80xi32, #tpu.memory_space<hbm>>) target(%arg8 : memref<80xi32, #tpu.memory_space<vmem>>) target_semaphore(%arg23 : memref<!tpu.dma_semaphore, #tpu.memory_space<semaphore_mem>>)
        %dma_start3A_303 = arith.constant 0 : i32
        %dma_start3A_304 = arith.constant 0 : i32
        %dma_start3A_305 = tpu.memref_slice %arg4[%arg0, %arg1, %add3A_295, %dma_start3A_303, %dma_start3A_304] : memref<2x16x125x1x80xf32, #tpu.memory_space<hbm>> -> memref<1x1x1x1x80xf32, #tpu.memory_space<hbm>>
        %dma_start3A_306 = tpu.memref_squeeze %dma_start3A_305 : memref<1x1x1x1x80xf32, #tpu.memory_space<hbm>> -> memref<80xf32, #tpu.memory_space<hbm>>
        %dma_start3A_307 = arith.constant 0 : i32
        %dma_start3A_308 = tpu.memref_slice %arg4[%arg0, %arg1, %add3A_295, %dma_start3A_303, %dma_start3A_307] : memref<2x16x125x1x80xf32, #tpu.memory_space<hbm>> -> memref<1x1x1x1x80xf32, #tpu.memory_space<hbm>>
        %dma_start3A_309 = tpu.memref_squeeze %dma_start3A_308 : memref<1x1x1x1x80xf32, #tpu.memory_space<hbm>> -> memref<80xf32, #tpu.memory_space<hbm>>
        tpu.enqueue_dma source(%dma_start3A_309 : memref<80xf32, #tpu.memory_space<hbm>>) target(%arg10 : memref<80xf32, #tpu.memory_space<vmem>>) target_semaphore(%arg23 : memref<!tpu.dma_semaphore, #tpu.memory_space<semaphore_mem>>)
      } else {
      }
      %dma_wait3A_282 = arith.constant 0 : i32
      %dma_wait3A_283 = arith.constant 0 : i32
      %dma_wait3A_284 = tpu.memref_slice %arg2[%dma_wait3A_282, %dma_wait3A_283] : memref<20000x128xf32, #tpu.memory_space<hbm>> -> memref<20000x128xf32, #tpu.memory_space<hbm>>
      tpu.wait_indirect_dma semaphore(%arg25 : memref<!tpu.dma_semaphore, #tpu.memory_space<semaphore_mem>>) src(%dma_wait3A_284 : memref<20000x128xf32, #tpu.memory_space<hbm>>) dst(%arg16 : memref<80x128xf32, #tpu.memory_space<vmem>>)
      %dma_start3A_285 = arith.constant 0 : i32
      %dma_start3A_286 = arith.constant 0 : i32
      %dma_start3A_287 = tpu.memref_slice %arg20[%dma_start3A_285, %dma_start3A_286] : memref<10000x128xf32, #tpu.memory_space<vmem_shared>> -> memref<10000x128xf32, #tpu.memory_space<vmem_shared>>
      tpu.enqueue_indirect_dma source(%arg16 : memref<80x128xf32, #tpu.memory_space<vmem>>) target(%dma_start3A_287 : memref<10000x128xf32, #tpu.memory_space<vmem_shared>>) offsets(%arg14 : memref<80xi32, #tpu.memory_space<vmem>>) semaphore(%arg27 : memref<!tpu.dma_semaphore, #tpu.memory_space<semaphore_mem>>) {add = true}
      %lt3A_288 = arith.constant 124 : i32
      %lt3A_289 = arith.cmpi slt, %add3A_276, %lt3A_288 : i32
      %convert_element_type3A_290 = arith.extui %lt3A_289 : i1 to i32
      %cond3A_291 = arith.constant 0 : i32
      %cond3A_292 = arith.cmpi ne, %convert_element_type3A_290, %cond3A_291 : i32
      scf.if %cond3A_292 {
        %dma_wait3A_294 = arith.constant 0 : i32
        %dma_wait3A_295 = arith.constant 0 : i32
        %dma_wait3A_296 = arith.constant 0 : i32
        %dma_wait3A_297 = tpu.memref_slice %arg3[%arg1, %dma_wait3A_294, %dma_wait3A_295, %dma_wait3A_296] : memref<16x125x1x80xi32, #tpu.memory_space<hbm>> -> memref<1x1x1x80xi32, #tpu.memory_space<hbm>>
        %dma_wait3A_298 = tpu.memref_squeeze %dma_wait3A_297 : memref<1x1x1x80xi32, #tpu.memory_space<hbm>> -> memref<80xi32, #tpu.memory_space<hbm>>
        %dma_wait3A_299 = arith.constant 0 : i32
        %dma_wait3A_300 = tpu.memref_slice %arg3[%arg1, %dma_wait3A_294, %dma_wait3A_295, %dma_wait3A_299] : memref<16x125x1x80xi32, #tpu.memory_space<hbm>> -> memref<1x1x1x80xi32, #tpu.memory_space<hbm>>
        %dma_wait3A_301 = tpu.memref_squeeze %dma_wait3A_300 : memref<1x1x1x80xi32, #tpu.memory_space<hbm>> -> memref<80xi32, #tpu.memory_space<hbm>>
        tpu.wait_dma2 semaphore(%arg22 : memref<!tpu.dma_semaphore, #tpu.memory_space<semaphore_mem>>) src(%dma_wait3A_301 : memref<80xi32, #tpu.memory_space<hbm>>) dst(%arg7 : memref<80xi32, #tpu.memory_space<vmem>>)
        %dma_wait3A_302 = arith.constant 0 : i32
        %dma_wait3A_303 = arith.constant 0 : i32
        %dma_wait3A_304 = arith.constant 0 : i32
        %dma_wait3A_305 = tpu.memref_slice %arg4[%arg0, %arg1, %dma_wait3A_302, %dma_wait3A_303, %dma_wait3A_304] : memref<2x16x125x1x80xf32, #tpu.memory_space<hbm>> -> memref<1x1x1x1x80xf32, #tpu.memory_space<hbm>>
        %dma_wait3A_306 = tpu.memref_squeeze %dma_wait3A_305 : memref<1x1x1x1x80xf32, #tpu.memory_space<hbm>> -> memref<80xf32, #tpu.memory_space<hbm>>
        %dma_wait3A_307 = arith.constant 0 : i32
        %dma_wait3A_308 = tpu.memref_slice %arg4[%arg0, %arg1, %dma_wait3A_302, %dma_wait3A_303, %dma_wait3A_307] : memref<2x16x125x1x80xf32, #tpu.memory_space<hbm>> -> memref<1x1x1x1x80xf32, #tpu.memory_space<hbm>>
        %dma_wait3A_309 = tpu.memref_squeeze %dma_wait3A_308 : memref<1x1x1x1x80xf32, #tpu.memory_space<hbm>> -> memref<80xf32, #tpu.memory_space<hbm>>
        tpu.wait_dma2 semaphore(%arg22 : memref<!tpu.dma_semaphore, #tpu.memory_space<semaphore_mem>>) src(%dma_wait3A_309 : memref<80xf32, #tpu.memory_space<hbm>>) dst(%arg9 : memref<80xf32, #tpu.memory_space<vmem>>)
        %get3A_310 = arith.constant 0 : index
        %get3A_311 = tpu.vector_load %arg7[%get3A_310] {strides = array<i32>} : memref<80xi32, #tpu.memory_space<vmem>>, vector<16xi32>,
        %and3A_312 = arith.constant 65535 : i32
        %and3A_313 = vector.broadcast %and3A_312 : i32 to vector<16xi32>
        %and3A_314 = arith.andi %get3A_311, %and3A_313 : vector<16xi32>
        %add3A_315 = vector.broadcast %mul3A_1 : i32 to vector<16xi32>
        %add3A_316 = arith.addi %and3A_314, %add3A_315 : vector<16xi32>
        %swap3A_317 = arith.constant 0 : index
        %swap3A_318 = tpu.vector_load %arg11[%swap3A_317] {strides = array<i32>} : memref<80xi32, #tpu.memory_space<vmem>>, vector<16xi32>,
        tpu.vector_store %arg11[%swap3A_317], %add3A_316 {strides = array<i32>} : memref<80xi32, #tpu.memory_space<vmem>>, vector<16xi32>,
        %get3A_319 = arith.constant 16 : index
        %get3A_320 = tpu.vector_load %arg7[%get3A_319] {strides = array<i32>} : memref<80xi32, #tpu.memory_space<vmem>>, vector<16xi32>,
        %and3A_321 = arith.constant 65535 : i32
        %and3A_322 = vector.broadcast %and3A_321 : i32 to vector<16xi32>
        %and3A_323 = arith.andi %get3A_320, %and3A_322 : vector<16xi32>
        %add3A_324 = vector.broadcast %mul3A_1 : i32 to vector<16xi32>
        %add3A_325 = arith.addi %and3A_323, %add3A_324 : vector<16xi32>
        %swap3A_326 = arith.constant 16 : index
        %swap3A_327 = tpu.vector_load %arg11[%swap3A_326] {strides = array<i32>} : memref<80xi32, #tpu.memory_space<vmem>>, vector<16xi32>,
        tpu.vector_store %arg11[%swap3A_326], %add3A_325 {strides = array<i32>} : memref<80xi32, #tpu.memory_space<vmem>>, vector<16xi32>,
        %get3A_328 = arith.constant 32 : index
        %get3A_329 = tpu.vector_load %arg7[%get3A_328] {strides = array<i32>} : memref<80xi32, #tpu.memory_space<vmem>>, vector<16xi32>,
        %and3A_330 = arith.constant 65535 : i32
        %and3A_331 = vector.broadcast %and3A_330 : i32 to vector<16xi32>
        %and3A_332 = arith.andi %get3A_329, %and3A_331 : vector<16xi32>
        %add3A_333 = vector.broadcast %mul3A_1 : i32 to vector<16xi32>
        %add3A_334 = arith.addi %and3A_332, %add3A_333 : vector<16xi32>
        %swap3A_335 = arith.constant 32 : index
        %swap3A_336 = tpu.vector_load %arg11[%swap3A_335] {strides = array<i32>} : memref<80xi32, #tpu.memory_space<vmem>>, vector<16xi32>,
        tpu.vector_store %arg11[%swap3A_335], %add3A_334 {strides = array<i32>} : memref<80xi32, #tpu.memory_space<vmem>>, vector<16xi32>,
        %get3A_337 = arith.constant 48 : index
        %get3A_338 = tpu.vector_load %arg7[%get3A_337] {strides = array<i32>} : memref<80xi32, #tpu.memory_space<vmem>>, vector<16xi32>,
        %and3A_339 = arith.constant 65535 : i32
        %and3A_340 = vector.broadcast %and3A_339 : i32 to vector<16xi32>
        %and3A_341 = arith.andi %get3A_338, %and3A_340 : vector<16xi32>
        %add3A_342 = vector.broadcast %mul3A_1 : i32 to vector<16xi32>
        %add3A_343 = arith.addi %and3A_341, %add3A_342 : vector<16xi32>
        %swap3A_344 = arith.constant 48 : index
        %swap3A_345 = tpu.vector_load %arg11[%swap3A_344] {strides = array<i32>} : memref<80xi32, #tpu.memory_space<vmem>>, vector<16xi32>,
        tpu.vector_store %arg11[%swap3A_344], %add3A_343 {strides = array<i32>} : memref<80xi32, #tpu.memory_space<vmem>>, vector<16xi32>,
        %get3A_346 = arith.constant 64 : index
        %get3A_347 = tpu.vector_load %arg7[%get3A_346] {strides = array<i32>} : memref<80xi32, #tpu.memory_space<vmem>>, vector<16xi32>,
        %and3A_348 = arith.constant 65535 : i32
        %and3A_349 = vector.broadcast %and3A_348 : i32 to vector<16xi32>
        %and3A_350 = arith.andi %get3A_347, %and3A_349 : vector<16xi32>
        %add3A_351 = vector.broadcast %mul3A_1 : i32 to vector<16xi32>
        %add3A_352 = arith.addi %and3A_350, %add3A_351 : vector<16xi32>
        %swap3A_353 = arith.constant 64 : index
        %swap3A_354 = tpu.vector_load %arg11[%swap3A_353] {strides = array<i32>} : memref<80xi32, #tpu.memory_space<vmem>>, vector<16xi32>,
        tpu.vector_store %arg11[%swap3A_353], %add3A_352 {strides = array<i32>} : memref<80xi32, #tpu.memory_space<vmem>>, vector<16xi32>,
        %gt3A = arith.constant 0 : i32
        %gt3A_355 = arith.cmpi sgt, %add3A_276, %gt3A : i32
        %convert_element_type3A_356 = arith.extui %gt3A_355 : i1 to i32
        %cond3A_357 = arith.constant 0 : i32
        %cond3A_358 = arith.cmpi ne, %convert_element_type3A_356, %cond3A_357 : i32
        scf.if %cond3A_358 {
          %dma_wait3A_457 = arith.constant 0 : i32
          %dma_wait3A_458 = arith.constant 0 : i32
          %dma_wait3A_459 = tpu.memref_slice %arg20[%dma_wait3A_457, %dma_wait3A_458] : memref<10000x128xf32, #tpu.memory_space<vmem_shared>> -> memref<10000x128xf32, #tpu.memory_space<vmem_shared>>
          tpu.wait_indirect_dma semaphore(%arg26 : memref<!tpu.dma_semaphore, #tpu.memory_space<semaphore_mem>>) src(%arg15 : memref<80x128xf32, #tpu.memory_space<vmem>>) dst(%dma_wait3A_459 : memref<10000x128xf32, #tpu.memory_space<vmem_shared>>)
        } else {
        }
        %dma_start3A_359 = arith.constant 0 : i32
        %dma_start3A_360 = arith.constant 0 : i32
        %dma_start3A_361 = tpu.memref_slice %arg2[%dma_start3A_359, %dma_start3A_360] : memref<20000x128xf32, #tpu.memory_space<hbm>> -> memref<20000x128xf32, #tpu.memory_space<hbm>>
        tpu.enqueue_indirect_dma source(%dma_start3A_361 : memref<20000x128xf32, #tpu.memory_space<hbm>>) target(%arg15 : memref<80x128xf32, #tpu.memory_space<vmem>>) offsets(%arg11 : memref<80xi32, #tpu.memory_space<vmem>>) semaphore(%arg24 : memref<!tpu.dma_semaphore, #tpu.memory_space<semaphore_mem>>)
        %get3A_362 = arith.constant 0 : index
        %get3A_363 = tpu.vector_load %arg7[%get3A_362] {strides = array<i32>} : memref<80xi32, #tpu.memory_space<vmem>>, vector<16xi32>,
        %shift_right_logical3A_364 = arith.constant 16 : i32
        %shift_right_logical3A_365 = vector.broadcast %shift_right_logical3A_364 : i32 to vector<16xi32>
        %shift_right_logical3A_366 = arith.shrui %get3A_363, %shift_right_logical3A_365 : vector<16xi32>
        %swap3A_367 = arith.constant 0 : index
        %swap3A_368 = tpu.vector_load %arg13[%swap3A_367] {strides = array<i32>} : memref<80xi32, #tpu.memory_space<vmem>>, vector<16xi32>,
        tpu.vector_store %arg13[%swap3A_367], %shift_right_logical3A_366 {strides = array<i32>} : memref<80xi32, #tpu.memory_space<vmem>>, vector<16xi32>,
        %mul3A_369 = arith.constant 26844 : i32
        %mul3A_370 = vector.broadcast %mul3A_369 : i32 to vector<16xi32>
        %mul3A_371 = arith.muli %shift_right_logical3A_366, %mul3A_370 : vector<16xi32>
        %shift_right_logical3A_372 = arith.constant 24 : i32
        %shift_right_logical3A_373 = vector.broadcast %shift_right_logical3A_372 : i32 to vector<16xi32>
        %shift_right_logical3A_374 = arith.shrui %mul3A_371, %shift_right_logical3A_373 : vector<16xi32>
        %mul3A_375 = arith.constant 15 : i32
        %mul3A_376 = vector.broadcast %mul3A_375 : i32 to vector<16xi32>
        %mul3A_377 = arith.muli %mul3A_376, %shift_right_logical3A_374 : vector<16xi32>
        %add3A_378 = arith.addi %shift_right_logical3A_366, %mul3A_377 : vector<16xi32>
        %get3A_379 = arith.constant 0 : index
        %get3A_380 = tpu.vector_load %arg9[%get3A_379] {strides = array<i32>} : memref<80xf32, #tpu.memory_space<vmem>>, vector<16xf32>,
        tpu.vector_store_idx %arg17[%add3A_378], %get3A_380 {add = true} : memref<10240xf32, #tpu.memory_space<vmem>>[vector<16xi32>], vector<16xf32>,
        %get3A_381 = arith.constant 16 : index
        %get3A_382 = tpu.vector_load %arg7[%get3A_381] {strides = array<i32>} : memref<80xi32, #tpu.memory_space<vmem>>, vector<16xi32>,
        %shift_right_logical3A_383 = arith.constant 16 : i32
        %shift_right_logical3A_384 = vector.broadcast %shift_right_logical3A_383 : i32 to vector<16xi32>
        %shift_right_logical3A_385 = arith.shrui %get3A_382, %shift_right_logical3A_384 : vector<16xi32>
        %swap3A_386 = arith.constant 16 : index
        %swap3A_387 = tpu.vector_load %arg13[%swap3A_386] {strides = array<i32>} : memref<80xi32, #tpu.memory_space<vmem>>, vector<16xi32>,
        tpu.vector_store %arg13[%swap3A_386], %shift_right_logical3A_385 {strides = array<i32>} : memref<80xi32, #tpu.memory_space<vmem>>, vector<16xi32>,
        %mul3A_388 = arith.constant 26844 : i32
        %mul3A_389 = vector.broadcast %mul3A_388 : i32 to vector<16xi32>
        %mul3A_390 = arith.muli %shift_right_logical3A_385, %mul3A_389 : vector<16xi32>
        %shift_right_logical3A_391 = arith.constant 24 : i32
        %shift_right_logical3A_392 = vector.broadcast %shift_right_logical3A_391 : i32 to vector<16xi32>
        %shift_right_logical3A_393 = arith.shrui %mul3A_390, %shift_right_logical3A_392 : vector<16xi32>
        %mul3A_394 = arith.constant 15 : i32
        %mul3A_395 = vector.broadcast %mul3A_394 : i32 to vector<16xi32>
        %mul3A_396 = arith.muli %mul3A_395, %shift_right_logical3A_393 : vector<16xi32>
        %add3A_397 = arith.addi %shift_right_logical3A_385, %mul3A_396 : vector<16xi32>
        %get3A_398 = arith.constant 16 : index
        %get3A_399 = tpu.vector_load %arg9[%get3A_398] {strides = array<i32>} : memref<80xf32, #tpu.memory_space<vmem>>, vector<16xf32>,
        tpu.vector_store_idx %arg17[%add3A_397], %get3A_399 {add = true} : memref<10240xf32, #tpu.memory_space<vmem>>[vector<16xi32>], vector<16xf32>,
        %get3A_400 = arith.constant 32 : index
        %get3A_401 = tpu.vector_load %arg7[%get3A_400] {strides = array<i32>} : memref<80xi32, #tpu.memory_space<vmem>>, vector<16xi32>,
        %shift_right_logical3A_402 = arith.constant 16 : i32
        %shift_right_logical3A_403 = vector.broadcast %shift_right_logical3A_402 : i32 to vector<16xi32>
        %shift_right_logical3A_404 = arith.shrui %get3A_401, %shift_right_logical3A_403 : vector<16xi32>
        %swap3A_405 = arith.constant 32 : index
        %swap3A_406 = tpu.vector_load %arg13[%swap3A_405] {strides = array<i32>} : memref<80xi32, #tpu.memory_space<vmem>>, vector<16xi32>,
        tpu.vector_store %arg13[%swap3A_405], %shift_right_logical3A_404 {strides = array<i32>} : memref<80xi32, #tpu.memory_space<vmem>>, vector<16xi32>,
        %mul3A_407 = arith.constant 26844 : i32
        %mul3A_408 = vector.broadcast %mul3A_407 : i32 to vector<16xi32>
        %mul3A_409 = arith.muli %shift_right_logical3A_404, %mul3A_408 : vector<16xi32>
        %shift_right_logical3A_410 = arith.constant 24 : i32
        %shift_right_logical3A_411 = vector.broadcast %shift_right_logical3A_410 : i32 to vector<16xi32>
        %shift_right_logical3A_412 = arith.shrui %mul3A_409, %shift_right_logical3A_411 : vector<16xi32>
        %mul3A_413 = arith.constant 15 : i32
        %mul3A_414 = vector.broadcast %mul3A_413 : i32 to vector<16xi32>
        %mul3A_415 = arith.muli %mul3A_414, %shift_right_logical3A_412 : vector<16xi32>
        %add3A_416 = arith.addi %shift_right_logical3A_404, %mul3A_415 : vector<16xi32>
        %get3A_417 = arith.constant 32 : index
        %get3A_418 = tpu.vector_load %arg9[%get3A_417] {strides = array<i32>} : memref<80xf32, #tpu.memory_space<vmem>>, vector<16xf32>,
        tpu.vector_store_idx %arg17[%add3A_416], %get3A_418 {add = true} : memref<10240xf32, #tpu.memory_space<vmem>>[vector<16xi32>], vector<16xf32>,
        %get3A_419 = arith.constant 48 : index
        %get3A_420 = tpu.vector_load %arg7[%get3A_419] {strides = array<i32>} : memref<80xi32, #tpu.memory_space<vmem>>, vector<16xi32>,
        %shift_right_logical3A_421 = arith.constant 16 : i32
        %shift_right_logical3A_422 = vector.broadcast %shift_right_logical3A_421 : i32 to vector<16xi32>
        %shift_right_logical3A_423 = arith.shrui %get3A_420, %shift_right_logical3A_422 : vector<16xi32>
        %swap3A_424 = arith.constant 48 : index
        %swap3A_425 = tpu.vector_load %arg13[%swap3A_424] {strides = array<i32>} : memref<80xi32, #tpu.memory_space<vmem>>, vector<16xi32>,
        tpu.vector_store %arg13[%swap3A_424], %shift_right_logical3A_423 {strides = array<i32>} : memref<80xi32, #tpu.memory_space<vmem>>, vector<16xi32>,
        %mul3A_426 = arith.constant 26844 : i32
        %mul3A_427 = vector.broadcast %mul3A_426 : i32 to vector<16xi32>
        %mul3A_428 = arith.muli %shift_right_logical3A_423, %mul3A_427 : vector<16xi32>
        %shift_right_logical3A_429 = arith.constant 24 : i32
        %shift_right_logical3A_430 = vector.broadcast %shift_right_logical3A_429 : i32 to vector<16xi32>
        %shift_right_logical3A_431 = arith.shrui %mul3A_428, %shift_right_logical3A_430 : vector<16xi32>
        %mul3A_432 = arith.constant 15 : i32
        %mul3A_433 = vector.broadcast %mul3A_432 : i32 to vector<16xi32>
        %mul3A_434 = arith.muli %mul3A_433, %shift_right_logical3A_431 : vector<16xi32>
        %add3A_435 = arith.addi %shift_right_logical3A_423, %mul3A_434 : vector<16xi32>
        %get3A_436 = arith.constant 48 : index
        %get3A_437 = tpu.vector_load %arg9[%get3A_436] {strides = array<i32>} : memref<80xf32, #tpu.memory_space<vmem>>, vector<16xf32>,
        tpu.vector_store_idx %arg17[%add3A_435], %get3A_437 {add = true} : memref<10240xf32, #tpu.memory_space<vmem>>[vector<16xi32>], vector<16xf32>,
        %get3A_438 = arith.constant 64 : index
        %get3A_439 = tpu.vector_load %arg7[%get3A_438] {strides = array<i32>} : memref<80xi32, #tpu.memory_space<vmem>>, vector<16xi32>,
        %shift_right_logical3A_440 = arith.constant 16 : i32
        %shift_right_logical3A_441 = vector.broadcast %shift_right_logical3A_440 : i32 to vector<16xi32>
        %shift_right_logical3A_442 = arith.shrui %get3A_439, %shift_right_logical3A_441 : vector<16xi32>
        %swap3A_443 = arith.constant 64 : index
        %swap3A_444 = tpu.vector_load %arg13[%swap3A_443] {strides = array<i32>} : memref<80xi32, #tpu.memory_space<vmem>>, vector<16xi32>,
        tpu.vector_store %arg13[%swap3A_443], %shift_right_logical3A_442 {strides = array<i32>} : memref<80xi32, #tpu.memory_space<vmem>>, vector<16xi32>,
        %mul3A_445 = arith.constant 26844 : i32
        %mul3A_446 = vector.broadcast %mul3A_445 : i32 to vector<16xi32>
        %mul3A_447 = arith.muli %shift_right_logical3A_442, %mul3A_446 : vector<16xi32>
        %shift_right_logical3A_448 = arith.constant 24 : i32
        %shift_right_logical3A_449 = vector.broadcast %shift_right_logical3A_448 : i32 to vector<16xi32>
        %shift_right_logical3A_450 = arith.shrui %mul3A_447, %shift_right_logical3A_449 : vector<16xi32>
        %mul3A_451 = arith.constant 15 : i32
        %mul3A_452 = vector.broadcast %mul3A_451 : i32 to vector<16xi32>
        %mul3A_453 = arith.muli %mul3A_452, %shift_right_logical3A_450 : vector<16xi32>
        %add3A_454 = arith.addi %shift_right_logical3A_442, %mul3A_453 : vector<16xi32>
        %get3A_455 = arith.constant 64 : index
        %get3A_456 = tpu.vector_load %arg9[%get3A_455] {strides = array<i32>} : memref<80xf32, #tpu.memory_space<vmem>>, vector<16xf32>,
        tpu.vector_store_idx %arg17[%add3A_454], %get3A_456 {add = true} : memref<10240xf32, #tpu.memory_space<vmem>>[vector<16xi32>], vector<16xf32>,
      } else {
      }
      %scan3A_293 = arith.constant 0 : i32
      scf.yield %scan3A_293 : i32
    }
    %scan3A_220 = arith.constant 62 : i32
    %dma_wait3A_221 = arith.constant 0 : i32
    %dma_wait3A_222 = arith.constant 0 : i32
    %dma_wait3A_223 = tpu.memref_slice %arg2[%dma_wait3A_221, %dma_wait3A_222] : memref<20000x128xf32, #tpu.memory_space<hbm>> -> memref<20000x128xf32, #tpu.memory_space<hbm>>
    tpu.wait_indirect_dma semaphore(%arg24 : memref<!tpu.dma_semaphore, #tpu.memory_space<semaphore_mem>>) src(%dma_wait3A_223 : memref<20000x128xf32, #tpu.memory_space<hbm>>) dst(%arg15 : memref<80x128xf32, #tpu.memory_space<vmem>>)
    %dma_start3A_224 = arith.constant 0 : i32
    %dma_start3A_225 = arith.constant 0 : i32
    %dma_start3A_226 = tpu.memref_slice %arg20[%dma_start3A_224, %dma_start3A_225] : memref<10000x128xf32, #tpu.memory_space<vmem_shared>> -> memref<10000x128xf32, #tpu.memory_space<vmem_shared>>
    tpu.enqueue_indirect_dma source(%arg15 : memref<80x128xf32, #tpu.memory_space<vmem>>) target(%dma_start3A_226 : memref<10000x128xf32, #tpu.memory_space<vmem_shared>>) offsets(%arg13 : memref<80xi32, #tpu.memory_space<vmem>>) semaphore(%arg26 : memref<!tpu.dma_semaphore, #tpu.memory_space<semaphore_mem>>) {add = true}
    %dma_wait3A_227 = arith.constant 0 : i32
    %dma_wait3A_228 = arith.constant 0 : i32
    %dma_wait3A_229 = tpu.memref_slice %arg20[%dma_wait3A_227, %dma_wait3A_228] : memref<10000x128xf32, #tpu.memory_space<vmem_shared>> -> memref<10000x128xf32, #tpu.memory_space<vmem_shared>>
    tpu.wait_indirect_dma semaphore(%arg27 : memref<!tpu.dma_semaphore, #tpu.memory_space<semaphore_mem>>) src(%arg16 : memref<80x128xf32, #tpu.memory_space<vmem>>) dst(%dma_wait3A_229 : memref<10000x128xf32, #tpu.memory_space<vmem_shared>>)
    %dma_wait3A_230 = arith.constant 0 : i32
    %dma_wait3A_231 = arith.constant 0 : i32
    %dma_wait3A_232 = tpu.memref_slice %arg20[%dma_wait3A_230, %dma_wait3A_231] : memref<10000x128xf32, #tpu.memory_space<vmem_shared>> -> memref<10000x128xf32, #tpu.memory_space<vmem_shared>>
    tpu.wait_indirect_dma semaphore(%arg26 : memref<!tpu.dma_semaphore, #tpu.memory_space<semaphore_mem>>) src(%arg15 : memref<80x128xf32, #tpu.memory_space<vmem>>) dst(%dma_wait3A_232 : memref<10000x128xf32, #tpu.memory_space<vmem_shared>>)
    %run_scoped3A = arith.constant 0 : i32
    "tpu.region"() ({
      %run_scoped3A_253 = tpu.sem_alloc : memref<!tpu.dma_semaphore, #tpu.memory_space<semaphore_mem>>
      %dma_start3A_254 = arith.constant 0 : i32
      %dma_start3A_255 = tpu.memref_slice %arg21[%arg1, %run_scoped3A, %dma_start3A_254] : memref<16x1x10240xf32, #tpu.memory_space<vmem_shared>> -> memref<1x1x10240xf32, #tpu.memory_space<vmem_shared>>
      %dma_start3A_256 = tpu.memref_squeeze %dma_start3A_255 : memref<1x1x10240xf32, #tpu.memory_space<vmem_shared>> -> memref<10240xf32, #tpu.memory_space<vmem_shared>>
      %dma_start3A_257 = arith.constant 0 : i32
      %dma_start3A_258 = tpu.memref_slice %arg21[%arg1, %run_scoped3A, %dma_start3A_257] : memref<16x1x10240xf32, #tpu.memory_space<vmem_shared>> -> memref<1x1x10240xf32, #tpu.memory_space<vmem_shared>>
      %dma_start3A_259 = tpu.memref_squeeze %dma_start3A_258 : memref<1x1x10240xf32, #tpu.memory_space<vmem_shared>> -> memref<10240xf32, #tpu.memory_space<vmem_shared>>
      tpu.enqueue_dma source(%arg17 : memref<10240xf32, #tpu.memory_space<vmem>>) target(%dma_start3A_259 : memref<10240xf32, #tpu.memory_space<vmem_shared>>) target_semaphore(%run_scoped3A_253 : memref<!tpu.dma_semaphore, #tpu.memory_space<semaphore_mem>>)
      %dma_wait3A_260 = arith.constant 0 : i32
      %dma_wait3A_261 = tpu.memref_slice %arg21[%arg1, %run_scoped3A, %dma_wait3A_260] : memref<16x1x10240xf32, #tpu.memory_space<vmem_shared>> -> memref<1x1x10240xf32, #tpu.memory_space<vmem_shared>>
      %dma_wait3A_262 = tpu.memref_squeeze %dma_wait3A_261 : memref<1x1x10240xf32, #tpu.memory_space<vmem_shared>> -> memref<10240xf32, #tpu.memory_space<vmem_shared>>
      %dma_wait3A_263 = arith.constant 0 : i32
      %dma_wait3A_264 = tpu.memref_slice %arg21[%arg1, %run_scoped3A, %dma_wait3A_263] : memref<16x1x10240xf32, #tpu.memory_space<vmem_shared>> -> memref<1x1x10240xf32, #tpu.memory_space<vmem_shared>>
      %dma_wait3A_265 = tpu.memref_squeeze %dma_wait3A_264 : memref<1x1x10240xf32, #tpu.memory_space<vmem_shared>> -> memref<10240xf32, #tpu.memory_space<vmem_shared>>
      tpu.wait_dma2 semaphore(%run_scoped3A_253 : memref<!tpu.dma_semaphore, #tpu.memory_space<semaphore_mem>>) src(%arg17 : memref<10240xf32, #tpu.memory_space<vmem>>) dst(%dma_wait3A_265 : memref<10240xf32, #tpu.memory_space<vmem_shared>>)
      tpu.yield
    }) : () -> ()
    %barrier3A_233 = arith.constant 0 : index
    tpu.barrier barrier_id(%barrier3A_233)
    %mul3A_234 = arith.constant 640 : i32
    %mul3A_235 = arith.muli %arg1, %mul3A_234 : i32
    %run_scoped3A_236 = arith.constant 0 : i32
    %run_scoped3A_237 = arith.constant 0 : i32
    "tpu.region"() ({
      %run_scoped3A_253 = tpu.sem_alloc : memref<!tpu.dma_semaphore, #tpu.memory_space<semaphore_mem>>
      %dma_start3A_254 = tpu.memref_slice %arg21[%run_scoped3A_236, %run_scoped3A_237, %mul3A_235] : memref<16x1x10240xf32, #tpu.memory_space<vmem_shared>> -> memref<1x1x640xf32, #tpu.memory_space<vmem_shared>>
      %dma_start3A_255 = tpu.memref_squeeze %dma_start3A_254 : memref<1x1x640xf32, #tpu.memory_space<vmem_shared>> -> memref<640xf32, #tpu.memory_space<vmem_shared>>
      %dma_start3A_256 = tpu.memref_slice %arg21[%run_scoped3A_236, %run_scoped3A_237, %mul3A_235] : memref<16x1x10240xf32, #tpu.memory_space<vmem_shared>> -> memref<1x1x640xf32, #tpu.memory_space<vmem_shared>>
      %dma_start3A_257 = tpu.memref_squeeze %dma_start3A_256 : memref<1x1x640xf32, #tpu.memory_space<vmem_shared>> -> memref<640xf32, #tpu.memory_space<vmem_shared>>
      tpu.enqueue_dma source(%dma_start3A_257 : memref<640xf32, #tpu.memory_space<vmem_shared>>) target(%arg18 : memref<640xf32, #tpu.memory_space<vmem>>) target_semaphore(%run_scoped3A_253 : memref<!tpu.dma_semaphore, #tpu.memory_space<semaphore_mem>>)
      %dma_wait3A_258 = tpu.memref_slice %arg21[%run_scoped3A_236, %run_scoped3A_237, %mul3A_235] : memref<16x1x10240xf32, #tpu.memory_space<vmem_shared>> -> memref<1x1x640xf32, #tpu.memory_space<vmem_shared>>
      %dma_wait3A_259 = tpu.memref_squeeze %dma_wait3A_258 : memref<1x1x640xf32, #tpu.memory_space<vmem_shared>> -> memref<640xf32, #tpu.memory_space<vmem_shared>>
      %dma_wait3A_260 = tpu.memref_slice %arg21[%run_scoped3A_236, %run_scoped3A_237, %mul3A_235] : memref<16x1x10240xf32, #tpu.memory_space<vmem_shared>> -> memref<1x1x640xf32, #tpu.memory_space<vmem_shared>>
      %dma_wait3A_261 = tpu.memref_squeeze %dma_wait3A_260 : memref<1x1x640xf32, #tpu.memory_space<vmem_shared>> -> memref<640xf32, #tpu.memory_space<vmem_shared>>
      tpu.wait_dma2 semaphore(%run_scoped3A_253 : memref<!tpu.dma_semaphore, #tpu.memory_space<semaphore_mem>>) src(%dma_wait3A_261 : memref<640xf32, #tpu.memory_space<vmem_shared>>) dst(%arg18 : memref<640xf32, #tpu.memory_space<vmem>>)
      tpu.yield
    }) : () -> ()
    %scan3A_238 = arith.constant 0 : i32
    %scan3A_239 = arith.constant 1 : i32
    %scan3A_240 = arith.constant 15 : i32
    %scan3A_241 = arith.addi %scan3A_239, %scan3A_240 : i32
    %scan3A_242 = arith.constant 1 : i32
    %scan3A_243 = scf.for %scan3A_253 = %scan3A_239 to %scan3A_241 step %scan3A_242 iter_args(%scan3A_254 = %scan3A_238) -> (i32)  : i32 {
      %mul3A_255 = arith.constant 640 : i32
      %mul3A_256 = arith.muli %arg1, %mul3A_255 : i32
      %run_scoped3A_257 = arith.constant 0 : i32
      "tpu.region"() ({
        %run_scoped3A_266 = tpu.sem_alloc : memref<!tpu.dma_semaphore, #tpu.memory_space<semaphore_mem>>
        %dma_start3A_267 = tpu.memref_slice %arg21[%scan3A_253, %run_scoped3A_257, %mul3A_256] : memref<16x1x10240xf32, #tpu.memory_space<vmem_shared>> -> memref<1x1x640xf32, #tpu.memory_space<vmem_shared>>
        %dma_start3A_268 = tpu.memref_squeeze %dma_start3A_267 : memref<1x1x640xf32, #tpu.memory_space<vmem_shared>> -> memref<640xf32, #tpu.memory_space<vmem_shared>>
        %dma_start3A_269 = tpu.memref_slice %arg21[%scan3A_253, %run_scoped3A_257, %mul3A_256] : memref<16x1x10240xf32, #tpu.memory_space<vmem_shared>> -> memref<1x1x640xf32, #tpu.memory_space<vmem_shared>>
        %dma_start3A_270 = tpu.memref_squeeze %dma_start3A_269 : memref<1x1x640xf32, #tpu.memory_space<vmem_shared>> -> memref<640xf32, #tpu.memory_space<vmem_shared>>
        tpu.enqueue_dma source(%dma_start3A_270 : memref<640xf32, #tpu.memory_space<vmem_shared>>) target(%arg19 : memref<640xf32, #tpu.memory_space<vmem>>) target_semaphore(%run_scoped3A_266 : memref<!tpu.dma_semaphore, #tpu.memory_space<semaphore_mem>>)
        %dma_wait3A_271 = tpu.memref_slice %arg21[%scan3A_253, %run_scoped3A_257, %mul3A_256] : memref<16x1x10240xf32, #tpu.memory_space<vmem_shared>> -> memref<1x1x640xf32, #tpu.memory_space<vmem_shared>>
        %dma_wait3A_272 = tpu.memref_squeeze %dma_wait3A_271 : memref<1x1x640xf32, #tpu.memory_space<vmem_shared>> -> memref<640xf32, #tpu.memory_space<vmem_shared>>
        %dma_wait3A_273 = tpu.memref_slice %arg21[%scan3A_253, %run_scoped3A_257, %mul3A_256] : memref<16x1x10240xf32, #tpu.memory_space<vmem_shared>> -> memref<1x1x640xf32, #tpu.memory_space<vmem_shared>>
        %dma_wait3A_274 = tpu.memref_squeeze %dma_wait3A_273 : memref<1x1x640xf32, #tpu.memory_space<vmem_shared>> -> memref<640xf32, #tpu.memory_space<vmem_shared>>
        tpu.wait_dma2 semaphore(%run_scoped3A_266 : memref<!tpu.dma_semaphore, #tpu.memory_space<semaphore_mem>>) src(%dma_wait3A_274 : memref<640xf32, #tpu.memory_space<vmem_shared>>) dst(%arg19 : memref<640xf32, #tpu.memory_space<vmem>>)
        tpu.yield
      }) : () -> ()
      %scan3A_258 = arith.constant 0 : i32
      %scan3A_259 = arith.constant 0 : i32
      %scan3A_260 = arith.constant 40 : i32
      %scan3A_261 = arith.addi %scan3A_259, %scan3A_260 : i32
      %scan3A_262 = arith.constant 1 : i32
      %scan3A_263 = scf.for %scan3A_266 = %scan3A_259 to %scan3A_261 step %scan3A_262 iter_args(%scan3A_267 = %scan3A_258) -> (i32)  : i32 {
        %mul3A_268 = arith.constant 16 : i32
        %mul3A_269 = arith.muli %scan3A_266, %mul3A_268 : i32
        %get3A_270 = arith.index_cast %mul3A_269 : i32 to index
        %get3A_271 = tpu.vector_load %arg18[%get3A_270] {strides = array<i32>} : memref<640xf32, #tpu.memory_space<vmem>>, vector<16xf32>,
        %mul3A_272 = arith.constant 16 : i32
        %mul3A_273 = arith.muli %scan3A_266, %mul3A_272 : i32
        %get3A_274 = arith.index_cast %mul3A_273 : i32 to index
        %get3A_275 = tpu.vector_load %arg19[%get3A_274] {strides = array<i32>} : memref<640xf32, #tpu.memory_space<vmem>>, vector<16xf32>,
        %add3A_276 = arith.addf %get3A_271, %get3A_275 : vector<16xf32>
        %mul3A_277 = arith.constant 16 : i32
        %mul3A_278 = arith.muli %scan3A_266, %mul3A_277 : i32
        %swap3A_279 = arith.index_cast %mul3A_278 : i32 to index
        %swap3A_280 = tpu.vector_load %arg18[%swap3A_279] {strides = array<i32>} : memref<640xf32, #tpu.memory_space<vmem>>, vector<16xf32>,
        tpu.vector_store %arg18[%swap3A_279], %add3A_276 {strides = array<i32>} : memref<640xf32, #tpu.memory_space<vmem>>, vector<16xf32>,
        %scan3A_281 = arith.constant 0 : i32
        scf.yield %scan3A_281 : i32
      }
      %scan3A_264 = arith.constant 40 : i32
      %scan3A_265 = arith.constant 0 : i32
      scf.yield %scan3A_265 : i32
    }
    %scan3A_244 = arith.constant 15 : i32
    %run_scoped3A_245 = arith.constant 0 : i32
    "tpu.region"() ({
      %run_scoped3A_253 = tpu.sem_alloc : memref<!tpu.dma_semaphore, #tpu.memory_space<semaphore_mem>>
      %dma_start3A_254 = arith.constant 0 : i32
      %dma_start3A_255 = tpu.memref_slice %arg6[%arg0, %arg1, %run_scoped3A_245, %dma_start3A_254] : memref<2x16x1x640xf32, #tpu.memory_space<hbm>> -> memref<1x1x1x640xf32, #tpu.memory_space<hbm>>
      %dma_start3A_256 = tpu.memref_squeeze %dma_start3A_255 : memref<1x1x1x640xf32, #tpu.memory_space<hbm>> -> memref<640xf32, #tpu.memory_space<hbm>>
      %dma_start3A_257 = arith.constant 0 : i32
      %dma_start3A_258 = tpu.memref_slice %arg6[%arg0, %arg1, %run_scoped3A_245, %dma_start3A_257] : memref<2x16x1x640xf32, #tpu.memory_space<hbm>> -> memref<1x1x1x640xf32, #tpu.memory_space<hbm>>
      %dma_start3A_259 = tpu.memref_squeeze %dma_start3A_258 : memref<1x1x1x640xf32, #tpu.memory_space<hbm>> -> memref<640xf32, #tpu.memory_space<hbm>>
      tpu.enqueue_dma source(%arg18 : memref<640xf32, #tpu.memory_space<vmem>>) target(%dma_start3A_259 : memref<640xf32, #tpu.memory_space<hbm>>) target_semaphore(%run_scoped3A_253 : memref<!tpu.dma_semaphore, #tpu.memory_space<semaphore_mem>>)
      %dma_wait3A_260 = arith.constant 0 : i32
      %dma_wait3A_261 = tpu.memref_slice %arg6[%arg0, %arg1, %run_scoped3A_245, %dma_wait3A_260] : memref<2x16x1x640xf32, #tpu.memory_space<hbm>> -> memref<1x1x1x640xf32, #tpu.memory_space<hbm>>
      %dma_wait3A_262 = tpu.memref_squeeze %dma_wait3A_261 : memref<1x1x1x640xf32, #tpu.memory_space<hbm>> -> memref<640xf32, #tpu.memory_space<hbm>>
      %dma_wait3A_263 = arith.constant 0 : i32
      %dma_wait3A_264 = tpu.memref_slice %arg6[%arg0, %arg1, %run_scoped3A_245, %dma_wait3A_263] : memref<2x16x1x640xf32, #tpu.memory_space<hbm>> -> memref<1x1x1x640xf32, #tpu.memory_space<hbm>>
      %dma_wait3A_265 = tpu.memref_squeeze %dma_wait3A_264 : memref<1x1x1x640xf32, #tpu.memory_space<hbm>> -> memref<640xf32, #tpu.memory_space<hbm>>
      tpu.wait_dma2 semaphore(%run_scoped3A_253 : memref<!tpu.dma_semaphore, #tpu.memory_space<semaphore_mem>>) src(%arg18 : memref<640xf32, #tpu.memory_space<vmem>>) dst(%dma_wait3A_265 : memref<640xf32, #tpu.memory_space<hbm>>)
      tpu.yield
    }) : () -> ()
    %lt3A = arith.constant 15 : i32
    %lt3A_246 = arith.cmpi slt, %arg1, %lt3A : i32
    %convert_element_type3A = arith.extui %lt3A_246 : i1 to i32
    %cond3A = arith.constant 0 : i32
    %cond3A_247 = arith.cmpi ne, %convert_element_type3A, %cond3A : i32
    scf.if %cond3A_247 {
      %mul3A_253 = arith.constant 640 : i32
      %mul3A_254 = arith.muli %arg1, %mul3A_253 : i32
      %mul3A_255 = arith.constant 10000 : i32
      %mul3A_256 = arith.muli %arg0, %mul3A_255 : i32
      %mul3A_257 = arith.constant 640 : i32
      %mul3A_258 = arith.muli %arg1, %mul3A_257 : i32
      %add3A_259 = arith.addi %mul3A_256, %mul3A_258 : i32
      "tpu.region"() ({
        %run_scoped3A_260 = tpu.sem_alloc : memref<!tpu.dma_semaphore, #tpu.memory_space<semaphore_mem>>
        %dma_start3A_261 = arith.constant 0 : i32
        %dma_start3A_262 = tpu.memref_slice %arg5[%add3A_259, %dma_start3A_261] : memref<20000x128xf32, #tpu.memory_space<hbm>> -> memref<640x128xf32, #tpu.memory_space<hbm>>
        %dma_start3A_263 = arith.constant 0 : i32
        %dma_start3A_264 = tpu.memref_slice %arg20[%mul3A_254, %dma_start3A_263] : memref<10000x128xf32, #tpu.memory_space<vmem_shared>> -> memref<640x128xf32, #tpu.memory_space<vmem_shared>>
        tpu.enqueue_dma source(%dma_start3A_264 : memref<640x128xf32, #tpu.memory_space<vmem_shared>>) target(%dma_start3A_262 : memref<640x128xf32, #tpu.memory_space<hbm>>) target_semaphore(%run_scoped3A_260 : memref<!tpu.dma_semaphore, #tpu.memory_space<semaphore_mem>>)
        %dma_wait3A_265 = arith.constant 0 : i32
        %dma_wait3A_266 = tpu.memref_slice %arg5[%add3A_259, %dma_wait3A_265] : memref<20000x128xf32, #tpu.memory_space<hbm>> -> memref<640x128xf32, #tpu.memory_space<hbm>>
        %dma_wait3A_267 = arith.constant 0 : i32
        %dma_wait3A_268 = tpu.memref_slice %arg20[%mul3A_254, %dma_wait3A_267] : memref<10000x128xf32, #tpu.memory_space<vmem_shared>> -> memref<640x128xf32, #tpu.memory_space<vmem_shared>>
        tpu.wait_dma2 semaphore(%run_scoped3A_260 : memref<!tpu.dma_semaphore, #tpu.memory_space<semaphore_mem>>) src(%dma_wait3A_268 : memref<640x128xf32, #tpu.memory_space<vmem_shared>>) dst(%dma_wait3A_266 : memref<640x128xf32, #tpu.memory_space<hbm>>)
        tpu.yield
      }) : () -> ()
    } else {
    }
    %eq3A_248 = arith.constant 15 : i32
    %eq3A_249 = arith.cmpi eq, %arg1, %eq3A_248 : i32
    %convert_element_type3A_250 = arith.extui %eq3A_249 : i1 to i32
    %cond3A_251 = arith.constant 0 : i32
    %cond3A_252 = arith.cmpi ne, %convert_element_type3A_250, %cond3A_251 : i32
    scf.if %cond3A_252 {
      %mul3A_253 = arith.constant 10000 : i32
      %mul3A_254 = arith.muli %arg0, %mul3A_253 : i32
      %add3A_255 = arith.constant 9600 : i32
      %add3A_256 = arith.addi %mul3A_254, %add3A_255 : i32
      "tpu.region"() ({
        %run_scoped3A_257 = tpu.sem_alloc : memref<!tpu.dma_semaphore, #tpu.memory_space<semaphore_mem>>
        %dma_start3A_258 = arith.constant 0 : i32
        %dma_start3A_259 = tpu.memref_slice %arg5[%add3A_256, %dma_start3A_258] : memref<20000x128xf32, #tpu.memory_space<hbm>> -> memref<400x128xf32, #tpu.memory_space<hbm>>
        %dma_start3A_260 = arith.constant 9600 : i32
        %dma_start3A_261 = arith.constant 0 : i32
        %dma_start3A_262 = tpu.memref_slice %arg20[%dma_start3A_260, %dma_start3A_261] : memref<10000x128xf32, #tpu.memory_space<vmem_shared>> -> memref<400x128xf32, #tpu.memory_space<vmem_shared>>
        tpu.enqueue_dma source(%dma_start3A_262 : memref<400x128xf32, #tpu.memory_space<vmem_shared>>) target(%dma_start3A_259 : memref<400x128xf32, #tpu.memory_space<hbm>>) target_semaphore(%run_scoped3A_257 : memref<!tpu.dma_semaphore, #tpu.memory_space<semaphore_mem>>)
        %dma_wait3A_263 = arith.constant 0 : i32
        %dma_wait3A_264 = tpu.memref_slice %arg5[%add3A_256, %dma_wait3A_263] : memref<20000x128xf32, #tpu.memory_space<hbm>> -> memref<400x128xf32, #tpu.memory_space<hbm>>
        %dma_wait3A_265 = arith.constant 9600 : i32
        %dma_wait3A_266 = arith.constant 0 : i32
        %dma_wait3A_267 = tpu.memref_slice %arg20[%dma_wait3A_265, %dma_wait3A_266] : memref<10000x128xf32, #tpu.memory_space<vmem_shared>> -> memref<400x128xf32, #tpu.memory_space<vmem_shared>>
        tpu.wait_dma2 semaphore(%run_scoped3A_257 : memref<!tpu.dma_semaphore, #tpu.memory_space<semaphore_mem>>) src(%dma_wait3A_267 : memref<400x128xf32, #tpu.memory_space<vmem_shared>>) dst(%dma_wait3A_264 : memref<400x128xf32, #tpu.memory_space<hbm>>)
        tpu.yield
      }) : () -> ()
    } else {
    }
    return
  }
}

module attributes {stable_mosaic.version = 14 : i64} {
  func.func @body(%arg0: i32, %arg1: i32, %arg2: memref<1000x128xf32, #tpu.memory_space<vmem>>, %arg3: memref<1000x128xf32, #tpu.memory_space<vmem>>, %arg4: memref<1000x1xf32, #tpu.memory_space<vmem>>, %arg5: memref<128x128xf32, #tpu.memory_space<vmem>>, %arg6: memref<128x128xf32, #tpu.memory_space<vmem>>, %arg7: memref<1x128xf32, #tpu.memory_space<vmem>>, %arg8: memref<1x128xf32, #tpu.memory_space<vmem>>, %arg9: memref<1x128xf32, #tpu.memory_space<vmem>>, %arg10: memref<1x128xf32, #tpu.memory_space<vmem>>, %arg11: memref<1000x128xf32, #tpu.memory_space<vmem>>, %arg12: memref<20000x128xf32, #tpu.memory_space<vmem>>, %arg13: memref<2x128xf32, #tpu.memory_space<vmem>>) attributes {dimension_semantics = [#tpu.dimension_semantics<arbitrary>, #tpu.dimension_semantics<arbitrary>], iteration_bounds = array<i64: 2, 20>, scalar_prefetch = 0 : i64, scratch_operands = 2 : i64, tpu.core_type = #tpu.core_type<tc>, window_params = [{transform_indices = @transform_0, window_bounds = array<i64: 1000, 128>}, {transform_indices = @transform_1, window_bounds = array<i64: 1000, 128>}, {transform_indices = @transform_2, window_bounds = array<i64: 1000, 1>}, {pipeline_mode = #tpu.pipeline_mode<synchronous>, transform_indices = @transform_3, window_bounds = array<i64: 128, 128>}, {pipeline_mode = #tpu.pipeline_mode<synchronous>, transform_indices = @transform_4, window_bounds = array<i64: 128, 128>}, {pipeline_mode = #tpu.pipeline_mode<synchronous>, transform_indices = @transform_5, window_bounds = array<i64: 1, 128>}, {pipeline_mode = #tpu.pipeline_mode<synchronous>, transform_indices = @transform_6, window_bounds = array<i64: 1, 128>}, {pipeline_mode = #tpu.pipeline_mode<synchronous>, transform_indices = @transform_7, window_bounds = array<i64: 1, 128>}, {pipeline_mode = #tpu.pipeline_mode<synchronous>, transform_indices = @transform_8, window_bounds = array<i64: 1, 128>}, {transform_indices = @transform_9, window_bounds = array<i64: 1000, 128>}]} {
    %eq3A = arith.constant 0 : i32
    %eq3A_0 = arith.cmpi eq, %arg0, %eq3A : i32
    %convert_element_type3A = arith.extui %eq3A_0 : i1 to i32
    %cond3A = arith.constant 0 : i32
    %cond3A_1 = arith.cmpi ne, %convert_element_type3A, %cond3A : i32
    scf.if %cond3A_1 {
      %get3A = arith.constant 0 : index
      %get3A_7 = arith.constant 0 : index
      %get3A_8 = vector.load %arg2[%get3A, %get3A_7] : memref<1000x128xf32, #tpu.memory_space<vmem>>, vector<1000x128xf32>
      %get3A_9 = arith.constant 0 : index
      %get3A_10 = arith.constant 0 : index
      %get3A_11 = vector.load %arg5[%get3A_9, %get3A_10] : memref<128x128xf32, #tpu.memory_space<vmem>>, vector<128x128xf32>
      %dot_general3A = arith.constant dense<0.000000e+00> : vector<1000x128xf32>
      %dot_general3A_12 = tpu.matmul %get3A_8, %get3A_11, %dot_general3A {dimension_numbers = #tpu.dot_dimension_numbers<[1], [1], [0], [0], [0, 0, 1, 0], [], []>, transpose_lhs_hint = false} : vector<1000x128xf32>, vector<128x128xf32>, vector<1000x128xf32> -> vector<1000x128xf32>
      %get3A_13 = arith.constant 0 : index
      %get3A_14 = arith.constant 0 : index
      %get3A_15 = vector.load %arg3[%get3A_13, %get3A_14] : memref<1000x128xf32, #tpu.memory_space<vmem>>, vector<1000x128xf32>
      %get3A_16 = arith.constant 0 : index
      %get3A_17 = arith.constant 0 : index
      %get3A_18 = vector.load %arg6[%get3A_16, %get3A_17] : memref<128x128xf32, #tpu.memory_space<vmem>>, vector<128x128xf32>
      %dot_general3A_19 = arith.constant dense<0.000000e+00> : vector<1000x128xf32>
      %dot_general3A_20 = tpu.matmul %get3A_15, %get3A_18, %dot_general3A_19 {dimension_numbers = #tpu.dot_dimension_numbers<[1], [1], [0], [0], [0, 0, 1, 0], [], []>, transpose_lhs_hint = false} : vector<1000x128xf32>, vector<128x128xf32>, vector<1000x128xf32> -> vector<1000x128xf32>
      %add3A = arith.addf %dot_general3A_12, %dot_general3A_20 : vector<1000x128xf32>
      %get3A_21 = arith.constant 0 : index
      %get3A_22 = arith.constant 0 : index
      %get3A_23 = vector.load %arg4[%get3A_21, %get3A_22] : memref<1000x1xf32, #tpu.memory_space<vmem>>, vector<1000x1xf32>
      %get3A_24 = arith.constant 0 : index
      %get3A_25 = arith.constant 0 : index
      %get3A_26 = vector.load %arg7[%get3A_24, %get3A_25] : memref<1x128xf32, #tpu.memory_space<vmem>>, vector<1x128xf32>
      %mul3A = vector.broadcast %get3A_23 : vector<1000x1xf32> to vector<1000x128xf32>
      %mul3A_27 = vector.broadcast %get3A_26 : vector<1x128xf32> to vector<1000x128xf32>
      %mul3A_28 = arith.mulf %mul3A, %mul3A_27 : vector<1000x128xf32>
      %add3A_29 = arith.addf %add3A, %mul3A_28 : vector<1000x128xf32>
      %get3A_30 = arith.constant 0 : index
      %get3A_31 = arith.constant 0 : index
      %get3A_32 = vector.load %arg8[%get3A_30, %get3A_31] : memref<1x128xf32, #tpu.memory_space<vmem>>, vector<1x128xf32>
      %add3A_33 = vector.broadcast %get3A_32 : vector<1x128xf32> to vector<1000x128xf32>
      %add3A_34 = arith.addf %add3A_29, %add3A_33 : vector<1000x128xf32>
      %mul3A_35 = arith.constant 1000 : i32
      %mul3A_36 = arith.muli %arg1, %mul3A_35 : i32
      %swap3A = arith.index_cast %mul3A_36 : i32 to index
      %swap3A_37 = arith.constant 0 : index
      %swap3A_38 = vector.load %arg12[%swap3A, %swap3A_37] : memref<20000x128xf32, #tpu.memory_space<vmem>>, vector<1000x128xf32>
      tpu.vector_store %arg12[%swap3A, %swap3A_37], %add3A_34 {strides = array<i32>} : memref<20000x128xf32, #tpu.memory_space<vmem>>, vector<1000x128xf32>,
      %eq3A_39 = arith.constant 0 : i32
      %eq3A_40 = arith.cmpi eq, %arg1, %eq3A_39 : i32
      %convert_element_type3A_41 = arith.extui %eq3A_40 : i1 to i32
      %cond3A_42 = arith.constant 0 : i32
      %cond3A_43 = arith.cmpi ne, %convert_element_type3A_41, %cond3A_42 : i32
      scf.if %cond3A_43 {
        %broadcast_in_dim3A_63 = arith.constant 0.000000e+00 : f32
        %broadcast_in_dim3A_64 = vector.broadcast %broadcast_in_dim3A_63 : f32 to vector<2x128xf32>
        %swap3A_65 = arith.constant 0 : index
        %swap3A_66 = arith.constant 0 : index
        %swap3A_67 = vector.load %arg13[%swap3A_65, %swap3A_66] : memref<2x128xf32, #tpu.memory_space<vmem>>, vector<2x128xf32>
        tpu.vector_store %arg13[%swap3A_65, %swap3A_66], %broadcast_in_dim3A_64 {strides = array<i32>} : memref<2x128xf32, #tpu.memory_space<vmem>>, vector<2x128xf32>,
      } else {
      }
      %get3A_44 = arith.constant 0 : index
      %get3A_45 = arith.constant 0 : index
      %get3A_46 = vector.load %arg13[%get3A_44, %get3A_45] : memref<2x128xf32, #tpu.memory_space<vmem>>, vector<1x128xf32>
      %reduce_sum3A = arith.constant dense<0.000000e+00> : vector<128xf32>
      %reduce_sum3A_47 = vector.multi_reduction <add>, %add3A_34, %reduce_sum3A [0] : vector<1000x128xf32> to vector<128xf32>
      %broadcast_in_dim3A = vector.shape_cast %reduce_sum3A_47 : vector<128xf32> to vector<1x128xf32>
      %add3A_48 = arith.addf %get3A_46, %broadcast_in_dim3A : vector<1x128xf32>
      %swap3A_49 = arith.constant 0 : index
      %swap3A_50 = arith.constant 0 : index
      %swap3A_51 = vector.load %arg13[%swap3A_49, %swap3A_50] : memref<2x128xf32, #tpu.memory_space<vmem>>, vector<1x128xf32>
      tpu.vector_store %arg13[%swap3A_49, %swap3A_50], %add3A_48 {strides = array<i32>} : memref<2x128xf32, #tpu.memory_space<vmem>>, vector<1x128xf32>,
      %get3A_52 = arith.constant 1 : index
      %get3A_53 = arith.constant 0 : index
      %get3A_54 = vector.load %arg13[%get3A_52, %get3A_53] : memref<2x128xf32, #tpu.memory_space<vmem>>, vector<1x128xf32>
      %mul3A_55 = arith.mulf %add3A_34, %add3A_34 : vector<1000x128xf32>
      %reduce_sum3A_56 = arith.constant dense<0.000000e+00> : vector<128xf32>
      %reduce_sum3A_57 = vector.multi_reduction <add>, %mul3A_55, %reduce_sum3A_56 [0] : vector<1000x128xf32> to vector<128xf32>
      %broadcast_in_dim3A_58 = vector.shape_cast %reduce_sum3A_57 : vector<128xf32> to vector<1x128xf32>
      %add3A_59 = arith.addf %get3A_54, %broadcast_in_dim3A_58 : vector<1x128xf32>
      %swap3A_60 = arith.constant 1 : index
      %swap3A_61 = arith.constant 0 : index
      %swap3A_62 = vector.load %arg13[%swap3A_60, %swap3A_61] : memref<2x128xf32, #tpu.memory_space<vmem>>, vector<1x128xf32>
      tpu.vector_store %arg13[%swap3A_60, %swap3A_61], %add3A_59 {strides = array<i32>} : memref<2x128xf32, #tpu.memory_space<vmem>>, vector<1x128xf32>,
    } else {
    }
    %eq3A_2 = arith.constant 1 : i32
    %eq3A_3 = arith.cmpi eq, %arg0, %eq3A_2 : i32
    %convert_element_type3A_4 = arith.extui %eq3A_3 : i1 to i32
    %cond3A_5 = arith.constant 0 : i32
    %cond3A_6 = arith.cmpi ne, %convert_element_type3A_4, %cond3A_5 : i32
    scf.if %cond3A_6 {
      %get3A = arith.constant 0 : index
      %get3A_7 = arith.constant 0 : index
      %get3A_8 = vector.load %arg13[%get3A, %get3A_7] : memref<2x128xf32, #tpu.memory_space<vmem>>, vector<1x128xf32>
      %div3A = arith.constant 2.000000e+04 : f32
      %div3A_9 = vector.broadcast %div3A : f32 to vector<1x128xf32>
      %div3A_10 = arith.divf %get3A_8, %div3A_9 : vector<1x128xf32>
      %get3A_11 = arith.constant 1 : index
      %get3A_12 = arith.constant 0 : index
      %get3A_13 = vector.load %arg13[%get3A_11, %get3A_12] : memref<2x128xf32, #tpu.memory_space<vmem>>, vector<1x128xf32>
      %div3A_14 = arith.constant 2.000000e+04 : f32
      %div3A_15 = vector.broadcast %div3A_14 : f32 to vector<1x128xf32>
      %div3A_16 = arith.divf %get3A_13, %div3A_15 : vector<1x128xf32>
      %mul3A = arith.mulf %div3A_10, %div3A_10 : vector<1x128xf32>
      %sub3A = arith.subf %div3A_16, %mul3A : vector<1x128xf32>
      %get3A_17 = arith.constant 0 : index
      %get3A_18 = arith.constant 0 : index
      %get3A_19 = vector.load %arg9[%get3A_17, %get3A_18] : memref<1x128xf32, #tpu.memory_space<vmem>>, vector<1x128xf32>
      %add3A = arith.constant 9.99999974E-6 : f32
      %add3A_20 = vector.broadcast %add3A : f32 to vector<1x128xf32>
      %add3A_21 = arith.addf %sub3A, %add3A_20 : vector<1x128xf32>
      %rsqrt3A = math.rsqrt %add3A_21 : vector<1x128xf32>
      %mul3A_22 = arith.mulf %get3A_19, %rsqrt3A : vector<1x128xf32>
      %get3A_23 = arith.constant 0 : index
      %get3A_24 = arith.constant 0 : index
      %get3A_25 = vector.load %arg10[%get3A_23, %get3A_24] : memref<1x128xf32, #tpu.memory_space<vmem>>, vector<1x128xf32>
      %mul3A_26 = arith.mulf %div3A_10, %mul3A_22 : vector<1x128xf32>
      %sub3A_27 = arith.subf %get3A_25, %mul3A_26 : vector<1x128xf32>
      %mul3A_28 = arith.constant 1000 : i32
      %mul3A_29 = arith.muli %arg1, %mul3A_28 : i32
      %get3A_30 = arith.index_cast %mul3A_29 : i32 to index
      %get3A_31 = arith.constant 0 : index
      %get3A_32 = vector.load %arg12[%get3A_30, %get3A_31] : memref<20000x128xf32, #tpu.memory_space<vmem>>, vector<1000x128xf32>
      %mul3A_33 = vector.broadcast %mul3A_22 : vector<1x128xf32> to vector<1000x128xf32>
      %mul3A_34 = arith.mulf %get3A_32, %mul3A_33 : vector<1000x128xf32>
      %add3A_35 = vector.broadcast %sub3A_27 : vector<1x128xf32> to vector<1000x128xf32>
      %add3A_36 = arith.addf %mul3A_34, %add3A_35 : vector<1000x128xf32>
      %max3A = arith.constant 0.000000e+00 : f32
      %max3A_37 = vector.broadcast %max3A : f32 to vector<1000x128xf32>
      %max3A_38 = arith.maximumf %add3A_36, %max3A_37 : vector<1000x128xf32>
      %swap3A = arith.constant 0 : index
      %swap3A_39 = arith.constant 0 : index
      %swap3A_40 = vector.load %arg11[%swap3A, %swap3A_39] : memref<1000x128xf32, #tpu.memory_space<vmem>>, vector<1000x128xf32>
      tpu.vector_store %arg11[%swap3A, %swap3A_39], %max3A_38 {strides = array<i32>} : memref<1000x128xf32, #tpu.memory_space<vmem>>, vector<1000x128xf32>,
    } else {
    }
    return
  }
  func.func @transform_0(%arg0: i32, %arg1: i32) -> (i32, i32) {
    %sub3A = arith.constant 1 : i32
    %sub3A_0 = arith.subi %sub3A, %arg0 : i32
    %mul3A = arith.muli %sub3A_0, %arg1 : i32
    %c0_i32 = arith.constant 0 : i32
    %c0_i32_1 = arith.constant 0 : i32
    return %mul3A, %c0_i32 : i32, i32
  }
  func.func @transform_1(%arg0: i32, %arg1: i32) -> (i32, i32) {
    %sub3A = arith.constant 1 : i32
    %sub3A_0 = arith.subi %sub3A, %arg0 : i32
    %mul3A = arith.muli %sub3A_0, %arg1 : i32
    %c0_i32 = arith.constant 0 : i32
    %c0_i32_1 = arith.constant 0 : i32
    return %mul3A, %c0_i32 : i32, i32
  }
  func.func @transform_2(%arg0: i32, %arg1: i32) -> (i32, i32) {
    %sub3A = arith.constant 1 : i32
    %sub3A_0 = arith.subi %sub3A, %arg0 : i32
    %mul3A = arith.muli %sub3A_0, %arg1 : i32
    %c0_i32 = arith.constant 0 : i32
    %c0_i32_1 = arith.constant 0 : i32
    return %mul3A, %c0_i32 : i32, i32
  }
  func.func @transform_3(%arg0: i32, %arg1: i32) -> (i32, i32) {
    %c0_i32 = arith.constant 0 : i32
    %c0_i32_0 = arith.constant 0 : i32
    %c0_i32_1 = arith.constant 0 : i32
    return %c0_i32, %c0_i32_0 : i32, i32
  }
  func.func @transform_4(%arg0: i32, %arg1: i32) -> (i32, i32) {
    %c0_i32 = arith.constant 0 : i32
    %c0_i32_0 = arith.constant 0 : i32
    %c0_i32_1 = arith.constant 0 : i32
    return %c0_i32, %c0_i32_0 : i32, i32
  }
  func.func @transform_5(%arg0: i32, %arg1: i32) -> (i32, i32) {
    %c0_i32 = arith.constant 0 : i32
    %c0_i32_0 = arith.constant 0 : i32
    %c0_i32_1 = arith.constant 0 : i32
    return %c0_i32, %c0_i32_0 : i32, i32
  }
  func.func @transform_6(%arg0: i32, %arg1: i32) -> (i32, i32) {
    %c0_i32 = arith.constant 0 : i32
    %c0_i32_0 = arith.constant 0 : i32
    %c0_i32_1 = arith.constant 0 : i32
    return %c0_i32, %c0_i32_0 : i32, i32
  }
  func.func @transform_7(%arg0: i32, %arg1: i32) -> (i32, i32) {
    %c0_i32 = arith.constant 0 : i32
    %c0_i32_0 = arith.constant 0 : i32
    %c0_i32_1 = arith.constant 0 : i32
    return %c0_i32, %c0_i32_0 : i32, i32
  }
  func.func @transform_8(%arg0: i32, %arg1: i32) -> (i32, i32) {
    %c0_i32 = arith.constant 0 : i32
    %c0_i32_0 = arith.constant 0 : i32
    %c0_i32_1 = arith.constant 0 : i32
    return %c0_i32, %c0_i32_0 : i32, i32
  }
  func.func @transform_9(%arg0: i32, %arg1: i32) -> (i32, i32) {
    %mul3A = arith.muli %arg0, %arg1 : i32
    %c0_i32 = arith.constant 0 : i32
    %c0_i32_0 = arith.constant 0 : i32
    return %mul3A, %c0_i32 : i32, i32
  }
}

</mosaic_0001>

<sc_bundles>
// kernel: kernel.4.cloned.1.call-start
scs
__scs_entry_jumppad:
0x0: {  	(pc) =	sbr.rel $0x88, $3  }
0x1: {  	(tag) =	ssettag $0x0;
	lr =	simm.s32 $0x1  }
0x2: {  	[smem:$0x3F98] =	sst lr;
	_ =	strace $0xD0000000  }
0x3: {  	_ = 	snop  }
0x4: {  	_ = 	snop  }
0x5: {  	_ = 	snop  }
0x6: {  	_ = 	snop  }
0x7: {  	_ = 	snop  }
__scs_overlays_trampoline_lowered:
0x8: {  	[smem:$0x3FA7] =	sst s0  }
0x9: {  	[smem:$0x3FA8] =	sst s1  }
0xa: {  	[smem:$0x3FA9] =	sst s2  }
0xb: {  	[smem:$0x3FAA] =	sst s3  }
0xc: {  	[smem:$0x3FAB] =	sst s4  }
0xd: {  	[smem:$0x3FAC] =	sst s5  }
0xe: {  	[smem:$0x3FAD] =	sst s6  }
0xf: {  	[smem:$0x3FAE] =	sst s7  }
0x10: {  	[smem:$0x3FAF] =	sst s8  }
0x11: {  	[smem:$0x3FB0] =	sst s9;
	s0 =	simm.s32 @!p0 $0x0  }
0x12: {  	s1 =	sld [smem:$0x3F96];
	s0 =	simm.s32 @p0 $0x1  }
0x13: {  	[smem:$0x3FB1] =	sst s0;
	s0 =	simm.s32 @!p1 $0x0  }
0x14: {  	s2 =	sld [smem:$0x3F95];
	s0 =	simm.s32 @p1 $0x1  }
0x15: {  	[smem:$0x3FB2] =	sst s0;
	s0 =	simm.s32 @!p2 $0x0  }
0x16: {  	s3 =	sld [smem:$0x3FDB];
	s0 =	simm.s32 @p2 $0x1  }
0x17: {  	s4 =	simm.s32 $0x1BF5;
	[smem:$0x3FB4] =	sst s0  }
0x18: {  	s0 =	sld [smem:$0x3F97];
	_ =	swait.ge [sflag:s4], $0x0  }
0x19: {  	s7 =	sld [smem:$0x3F98]  }
0x1a: {  	s8 =	sadd.s32 $0xFFFFE003, lr  }
0x1b: {  	s9 =	sadd.s32 $0xFFFFFEF7, lr;
	s5 =	simm.s32 $0xFFFFFFFF;
	p2 =	slt.u32 s8, $0xFFFFF086  }
0x1c: {  	p1 =	slt.u32 s9, $0xF7A;
	s5 =	simm.s32 @!p2 $0x0  }
0x1d: {  	s5 =	simm.s32 @p1 $0x1;
	p0 =	seq.s32 s7, s2  }
0x1e: {  	s7 =	smul.u32 @!p0 $0xF7A, s2;
	p2 =	seq.s32 @!p0 s5, $0x0  }
0x1f: {  	s9 =	smul.u32 $0xF7A, s1;
	s8 =	simm.s32 @!p0 $0x1BF5;
	p2 =	por !p2, p0  }
0x20: {  	[sflag:s8] =	ssyncset.s32 @!p0 $0xFFFFF086;
	s6 =	sadd.s32 @!p0 s3, s7;
	s7 =	simm.s32 @!p0 $0x108  }
0x21: {  	s3 =	sadd.s32 s3, s9;
	s6 =	sadd.s32 @!p0 $0x88, s6;
	s7 =	simm.s32 @p2 $0x1082  }
0x22: {  	[simem:s7], [sflag:s8] =	dma.local @!p0 [hbm:s6], $0xF7A  }
0x23: {  	s9 =	sor.u32 $0xD0000000, s2;
	s6 =	simm.s32 $0x108;
	_ =	swait.ge @!p0 [sflag:s8], $0x0  }
0x24: {  	s3 =	sadd.s32 $0x88, s3;
	s6 =	simm.s32 @!p1 $0x1082;
	[sflag:s4] =	ssyncset.s32 $0xFFFFF086  }
0x25: {  	[simem:s6], [sflag:s4] =	dma.local [hbm:s3], $0xF7A  }
0x26: {  	[smem:$0x3F98] =	sst s1;
	(tag) =	ssettag s2;
	_ =	strace s9  }
0x27: {  	s1 =	sld [smem:$0x3FA8]  }
0x28: {  	s2 =	sld [smem:$0x3FA9]  }
0x29: {  	s4 =	sld [smem:$0x3FAB]  }
0x2a: {  	p0 =	seq.s32 s5, $0x0;
	s5 =	sld [smem:$0x3FAC]  }
0x2b: {  	s6 =	sld [smem:$0x3FAD]  }
0x2c: {  	s7 =	sld [smem:$0x3FAE]  }
0x2d: {  	s3 =	simm.s32 $0x108;
	s8 =	sld [smem:$0x3FAF]  }
0x2e: {  	s3 =	simm.s32 @!p0 $0x1082;
	s9 =	sld [smem:$0x3FB0]  }
0x2f: {  	lr =	sadd.s32 s0, s3;
	s0 =	sld [smem:$0x3FA7]  }
0x30: {  	s3 =	sld [smem:$0x3FAA]  }
0x31: {  	[smem:$0x3FB3] =	sst s10  }
0x32: {  	s10 =	sld [smem:$0x3FB1];
	_ =	sdelay $0x3  }
0x33: {  	p0 =	seq.s32 s10, $0x1;
	s10 =	sld [smem:$0x3FB3];
	_ =	sdelay $0x3  }
0x34: {  	[smem:$0x3FB3] =	sst s10  }
0x35: {  	s10 =	sld [smem:$0x3FB2];
	_ =	sdelay $0x3  }
0x36: {  	p1 =	seq.s32 s10, $0x1;
	s10 =	sld [smem:$0x3FB3];
	_ =	sdelay $0x3  }
0x37: {  	[smem:$0x3FB3] =	sst s10  }
0x38: {  	s10 =	sld [smem:$0x3FB4]  }
0x39: {  	_ = 	snop;
	(pc) =	sbr.ind lr, $3  }
0x3a: {  	_ = 	snop  }
0x3b: {  	_ = 	snop  }
0x3c: {  	p2 =	seq.s32 s10, $0x1;
	s10 =	sld [smem:$0x3FB3]  }
0x3d: {  	_ =	shalt  }
0x3e: {  	_ =	shalt  }
0x3f: {  	_ =	shalt  }
0x40: {  	_ =	shalt  }
0x41: {  	_ =	shalt  }
0x42: {  	_ =	shalt  }
0x43: {  	_ =	shalt  }
0x44: {  	_ =	shalt  }
0x45: {  	_ =	shalt  }
0x46: {  	_ =	shalt  }
0x47: {  	_ =	shalt  }
0x48: {  	_ =	shalt  }
0x49: {  	_ =	shalt  }
0x4a: {  	_ =	shalt  }
0x4b: {  	_ =	shalt  }
0x4c: {  	_ =	shalt  }
0x4d: {  	_ =	shalt  }
0x4e: {  	_ =	shalt  }
0x4f: {  	_ =	shalt  }
0x50: {  	_ =	shalt  }
0x51: {  	_ =	shalt  }
0x52: {  	_ =	shalt  }
0x53: {  	_ =	shalt  }
0x54: {  	_ =	shalt  }
0x55: {  	_ =	shalt  }
0x56: {  	_ =	shalt  }
0x57: {  	_ =	shalt  }
0x58: {  	_ =	shalt  }
0x59: {  	_ =	shalt  }
0x5a: {  	_ =	shalt  }
0x5b: {  	_ =	shalt  }
0x5c: {  	_ =	shalt  }
0x5d: {  	_ =	shalt  }
0x5e: {  	_ =	shalt  }
0x5f: {  	_ =	shalt  }
0x60: {  	_ =	shalt  }
0x61: {  	_ =	shalt  }
0x62: {  	_ =	shalt  }
0x63: {  	_ =	shalt  }
0x64: {  	_ =	shalt  }
0x65: {  	_ =	shalt  }
0x66: {  	_ =	shalt  }
0x67: {  	_ =	shalt  }
0x68: {  	_ =	shalt  }
0x69: {  	_ =	shalt  }
0x6a: {  	_ =	shalt  }
0x6b: {  	_ =	shalt  }
0x6c: {  	_ =	shalt  }
0x6d: {  	_ =	shalt  }
0x6e: {  	_ =	shalt  }
0x6f: {  	_ =	shalt  }
0x70: {  	_ =	shalt  }
0x71: {  	_ =	shalt  }
0x72: {  	_ =	shalt  }
0x73: {  	_ =	shalt  }
0x74: {  	_ =	shalt  }
0x75: {  	_ =	shalt  }
0x76: {  	_ =	shalt  }
0x77: {  	_ =	shalt  }
0x78: {  	_ =	shalt  }
0x79: {  	_ =	shalt  }
0x7a: {  	_ =	shalt  }
0x7b: {  	_ =	shalt  }
0x7c: {  	_ =	shalt  }
0x7d: {  	_ =	shalt  }
0x7e: {  	_ =	shalt  }
0x7f: {  	_ =	shalt  }
0x80: {  	_ =	shalt  }
0x81: {  	_ =	shalt  }
0x82: {  	_ =	shalt  }
0x83: {  	_ =	shalt  }
0x84: {  	_ =	shalt  }
0x85: {  	_ =	shalt  }
0x86: {  	_ =	shalt  }
0x87: {  	_ =	shalt  }
.Lfunc_end0:
.L_simem_size_0:
called_computation_lowered:
.L_overlay_start_0:
0x88: {  	s2 =	sld [smem:$0x3FD9]  }
0x89: {  	s3 =	sld [smem:$0x3FFE];
	_ =	sdelay $0x1  }
0x8a: {  	s1 =	srdreg.scid  }
0x8b: {  	s0 =	sand.u32 $0x1, s1  }
0x8c: {  	s17 =	sshll.u32 s0, $0xA;
	s2 =	sadd.s32 s3, s2  }
0x8d: {  	s2 =	sadd.s32 s2, s17  }
0x8e: {  	[smem:$0x3FBF] =	sst s2  }
0x8f: {  	_ = 	snop  }
0x90: {  	s2 =	sld [smem:$0x3FC9]  }
0x91: {  	s18 =	sld [smem:$0x3FD0];
	(tm) =	ssettm $0x1  }
0x92: {  	s4 =	sld [smem:$0x3FFB];
	_ =	sdelay $0x3  }
0x93: {  	_ =	strace s4  }
0x94: {  	s4 =	sld [smem:$0x3FFC];
	_ =	sdelay $0x3  }
0x95: {  	_ =	strace s4  }
0x96: {  	s4 =	sld [smem:$0x3FFD];
	_ =	sdelay $0x3  }
0x97: {  	_ =	strace s4  }
0x98: {  	_ =	strace $0x8FFFFFFF  }
0x99: {  	s19 =	sld [smem:$0x3FDB];
	_ =	sdelay $0x1  }
0x9a: {  	s5 =	simm.s32 $_scs_section_size  }
0x9b: {  	s6 =	simm.s32 $_size__tile_overlayer_lowered;
	s7 =	simm.s32 $_tile_overlayer_lowered  }
0x9c: {  	s22 =	simm.s32 $0x1BFF;
	s21 =	sshll.u32 s7, $0x1;
	s4 =	sadd.s32 s5, s19  }
0x9d: {  	s8 =	simm.s32 $0x0;
	s20 =	sshll.u32 s6, $0x1;
	s6 =	sadd.s32 s21, s4  }
0x9e: {  	[timem:s8], [sflag:s22] =	dma.local [hbm:s6], s20  }
0x9f: {  	_ =	swait.ge [sflag:s22], s20  }
0xa0: {  	s5 =	ssub.s32 $0x0, s20;
	[sflag:s22] =	ssyncset.done $0x0  }
0xa1: {  	[sflag:s22] =	ssyncadd.s32 s5;
	_ =	sdelay $0x1  }
0xa2: {  	s23 =	simm.s32 $0x1B8B  }
0xa3: {  	_ =	swait.ge [sflag:s23], $0x1  }
0xa4: {  	[sflag:s23] =	ssyncset.done $0x0  }
0xa5: {  	s25 =	simm.s32 $0x1B8E;
	s24 =	sld [smem:$0x3FFE];
	[sflag:s23] =	ssyncadd.s32 $0xFFFFFFFF  }
0xa6: {  	s26 =	simm.s32 $execute0_lowered;
	[smem:$0x3FD2] =	sst s25  }
0xa7: {  	s6 =	sshll.u32 s26, $0x1;
	_ =	strace $0x80000046;
	[dreg:$0x1] =	wrdreg $0xFFFFFFFF  }
0xa8: {  	s28 =	simm.s32 $_size_execute0_lowered;
	s4 =	sadd.s32 s4, s6;
	[dreg:$0x0] =	wrdreg $0x0  }
0xa9: {  	s6 =	sshll.u32 s28, $0x1;
	[dreg:$0x2] =	wrdreg s4  }
0xaa: {  	[dreg:$0x3] =	wrdreg s6  }
0xab: {  	[dreg:$0x4] =	wrdreg $0xC0  }
0xac: {  	_ =	task [dreg:s8], $0x5FFFF  }
0xad: {  	[dreg:$0x1] =	wrdreg $0xFFFFFFFF  }
0xae: {  	[dreg:$0x0] =	wrdreg $0x60  }
0xaf: {  	[dreg:$0x2] =	wrdreg s2  }
0xb0: {  	[dreg:$0x3] =	wrdreg s24  }
0xb1: {  	[dreg:$0x4] =	wrdreg s18  }
0xb2: {  	[dreg:$0x5] =	wrdreg $0x81000  }
0xb3: {  	[dreg:$0x6] =	wrdreg $0x1B9800  }
0xb4: {  	[dreg:$0x7] =	wrdreg $0x9  }
0xb5: {  	_ =	task.clear_ibuf [dreg:s8], $0x8FFFF;
	_ =	strace $0x90000046  }
0xb6: {  	s29 =	simm.s32 $0x9;
	_ =	strace $0x80000048  }
0xb7: {  	_ =	swait.ge [sflag:s29], $0x1  }
0xb8: {  	[sflag:s29] =	ssyncadd.s32 $0xFFFFFFFF  }
0xb9: {  	_ =	strace $0x90000048  }
0xba: {  	_ =	sfence  }
0xbb: {  	s30 =	sld [smem:$0x0];
	_ =	sdelay $0x2  }
0xbc: {  	s31 =	sshll.u32 s1, $0xD;
	s1 =	sshrl.u32 s1, $0x2  }
0xbd: {  	s3 =	sand.u32 $0x4000, s31;
	s1 =	sadd.s32 s1, s30  }
0xbe: {  	s0 =	sor.u32 s3, s0;
	s1 =	sshll.u32 s1, $0x11  }
0xbf: {  	s0 =	sor.u32 s1, s0  }
0xc0: {  	s0 =	sadd.s32 $0x8F2B, s0  }
0xc1: {  	[sflag:s0] =	ssyncadd.remote.s32 $0x1  }
0xc2: {  	_ =	sfence.sel $0xFFFF  }
0xc3: {  	[dreg:$0x0] =	wrdreg $0xFFFFFFFF;
	(pc) =	sbr.abs _section_cstart, $3  }
0xc4: {  	[dreg:$0x1] =	wrdreg $0xFFFFFFFF  }
0xc5: {  	_ =	task.clear_ibuf [dreg:s8], $0x2FFFF;
	_ =	strace $0x9FFFFFFF  }
0xc6: {  	(tm) =	ssettm $0x7FFFFFFF  }
0xc7: {  	_ =	shalt  }
tec
execute0_lowered:
.L_overlay_start_1:
0x0: {  	(tag) =	ssettag $0x1  }
0x1: {  	s1 =	rddreg [dreg:$0x0]  }
0x2: {  	s0 =	rddreg [dreg:$0x1];
	s16 =	stileid.u32  }
0x3: {  	s2 =	rddreg [dreg:$0x2];
	s8 =	smul.u32 $0x280, s16  }
0x4: {  	s3 =	rddreg [dreg:$0x3];
	s10 =	smul.u32 $0x3E80, s16  }
0x5: {  	s6 =	rddreg [dreg:$0x4];
	s25 =	smul.u32 $0xA000, s16  }
0x6: {  	s5 =	srdreg.scid;
	s4 =	simm.s32 $0x0;
	s15 =	smul.u32 $0x50000, s16  }
0x7: {  	s28 =	simm.s32 $0x200;
	s7 =	sand.u32 $0x1, s5;
	s21 =	smul.u32 $0x7D0, s16  }
0x8: {  	s29 =	simm.s32 $0x400;
	s30 =	simm.s32 $0x2C00;
	s5 =	smul.u32 $0x2800, s7  }
0x9: {  	s31 =	simm.s32 $0x7;
	[smem:$0x7FF] =	sst s4;
	s13 =	smul.u32 $0x3E800, s7  }
0xa: {  	s9 =	sadd.s32 $0x1800, s0;
	p0 =	seq.s32 s16, $0xF;
	s17 =	smul.u32 $0x2710, s7  }
0xb: {  	_ =	strace $0x80000047;
	s12 =	ssub.s32 $0x2, s7;
	s7 =	smul.u32 $0x138800, s7  }
0xc: {  	s23 =	sshrl.u32 s12, $0x1;
	s24 =	sshrl.u32 s10, $0x3;
	s26 =	sshrl.u32 s15, $0x2  }
0xd: {  	s5 =	sadd.s32 s8, s5;
	s12 =	ssub.s32 s12, s23;
	s14 =	sadd.s32 s10, s13  }
0xe: {  	s13 =	sshrl.u32 s25, $0x2;
	s15 =	sadd.s32 s26, s3;
	s18 =	sshrl.u32 s7, $0x3  }
0xf: {  	s7 =	sadd.s32 $0x12C000, s3;
	s25 =	simm.s32 $0x280;
	s26 =	simm.s32 $0x380  }
0x10: {  	s11 =	sshrl.u32 s5, $0x3;
	s5 =	sadd.s32 $0x9600, s0;
	s10 =	sshrl.u32 s14, $0x3  }
0x11: {  	s13 =	sadd.s32 s13, s6;
	s19 =	sadd.s32 $0x180, s14;
	[dreg:$0x7] =	wrdreg s25  }
0x12: {  	s23 =	smax.u32 s12, $0x1;
	[dreg:$0x8] =	wrdreg s26;
	s25 =	simm.s32 $0x1  }
0x13: {  	s26 =	simm.s32 $0x50;
	s0 =	sadd.s32 s11, s0;
	s11 =	sadd.s32 s9, s24  }
0x14: {  	s10 =	sadd.s32 s5, s10;
	[dreg:$0xd] =	wrdreg s13;
	s13 =	sadd.s32 s8, s6  }
0x15: {  	s8 =	sadd.s32 s8, s17;
	s20 =	sshrl.u32 s19, $0x3;
	[dreg:$0x11] =	wrdreg s23  }
0x16: {  	s19 =	sadd.s32 s21, s9;
	s24 =	sadd.s32 $0x100, s14;
	[dreg:$0x9] =	wrdreg s11  }
0x17: {  	s21 =	simm.s32 $0x100;
	s23 =	simm.s32 $0x300;
	[dreg:$0xa] =	wrdreg s10  }
0x18: {  	s9 =	simm.s32 $0x6;
	s11 =	sadd.s32 $0x10, s11;
	[dreg:$0x12] =	wrdreg s24  }
0x19: {  	s6 =	simm.s32 $0x7E80;
	s10 =	sadd.s32 $0x10, s10;
	[dreg:$0xb] =	wrdreg s11  }
0x1a: {  	s0 =	sadd.s32 $0x19000, s0;
	s8 =	sshll.u32 s8, $0x4;
	[dreg:$0xc] =	wrdreg s10  }
0x1b: {  	s22 =	sadd.s32 s20, s5;
	s10 =	simm.s32 $0x5;
	[dreg:$0xe] =	wrdreg s0  }
0x1c: {  	s11 =	simm.s32 $0x5;
	s0 =	sadd.s32 s2, s8;
	[dreg:$0x6] =	wrdreg s22  }
0x1d: {  	s22 =	simm.s32 $0x3;
	[dreg:$0xf] =	wrdreg s0;
	s0 =	sadd.s32 s2, s18  }
0x1e: {  	s8 =	simm.s32 $0x4;
	s11 =	simm.s32 @!p0 $0x8;
	s0 =	sadd.s32 $0x25800, s0  }
0x1f: {  	s2 =	simm.s32 $0x2;
	[dreg:$0x10] =	wrdreg s0;
	s0 =	sshrl.u32 @p0 s7, $0x3  }
0x20: {  	v1 =	vimm.f32 $0.0e+00;
	v0 =	vmov s17;
	s7 =	simm.s32 $0x0;
	[dreg:$0x13] =	wrdreg s0;
	s0 =	simm.s32 $0x5400  }
.LBB2_1:
0x21: {  	s12 =	rddreg [dreg:$0x9]  }
0x22: {  	s17 =	rddreg [dreg:$0xa]  }
0x23: {  	[tilespmem:s4], [sflag:$0x1] =	stream.linear.gather [hbm4b:s12+s4], $0x80, $0x38;
	[tilespmem:$0x1E180] =	vst v63  }
0x24: {  	s18 =	rddreg [dreg:$0xb]  }
0x25: {  	[tilespmem:s21], [sflag:$0x1] =	stream.linear.gather [hbm4b:s17+s4], $0x80, $0x38;
	[tilespmem:$0x1E180] =	vst v63  }
0x26: {  	s14 =	simm.s32 $0x80;
	s20 =	rddreg [dreg:$0xc]  }
0x27: {  	[tilespmem:s14], [sflag:$0x2] =	stream.linear.gather [hbm4b:s18+s4], $0x80, $0x38;
	[tilespmem:$0x1E180] =	vst v63  }
0x28: {  	s24 =	simm.s32 $0x180;
	s17 =	simm.s32 $0x0;
	s14 =	simm.s32 $0x40  }
0x29: {  	[tilespmem:s24], [sflag:$0x2] =	stream.linear.gather [hbm4b:s20+s4], $0x80, $0x38;
	[tilespmem:$0x1E180] =	vst v63  }
.LBB2_2:
0x2a: {  	p1 =	sne.s32 s14, $0x9FC0;
	[tilespmem:s17+$0x5400] =	vst v1;
	s17 =	smov.u32 s14;
	s14 =	sadd.s32 $0x40, s14  }
.Ltmp0:
0x2b: {  	(pc) =	sbr.rel @p1 .LBB2_2-.Ltmp0, $2  }
0x2c: {  	_ =	sdelay $0x2  }
0x2d: {  	s17 =	sshra.s32 s17, $0x2  }
0x2e: {  	[tilespmem:s17+$0x5400] =	vst v1  }
0x2f: {  	_ =	swait.ge [sflag:s25], $0x80  }
0x30: {  	[sflag:s25] =	ssyncset.done $0x0  }
0x31: {  	[sflag:s25] =	ssyncadd.s32 $0xFFFFFF80  }
0x32: {  	_ =	swait.ge [sflag:s25], $0x80  }
0x33: {  	[sflag:s25] =	ssyncset.done $0x0  }
0x34: {  	[sflag:s25] =	ssyncadd.s32 $0xFFFFFF80  }
0x35: {  	v2 =	vld [tilespmem:$0x0]  }
0x36: {  	v3 =	vld [tilespmem:$0x10]  }
0x37: {  	v4 =	vld [tilespmem:$0x20]  }
0x38: {  	v5 =	vld [tilespmem:$0x30]  }
0x39: {  	v6 =	vld [tilespmem:$0x40]  }
0x3a: {  	v2 =	vand.u32 $0xFFFF, v2  }
0x3b: {  	v3 =	vand.u32 $0xFFFF, v3;
	v2 =	vadd.s32 v0, v2  }
0x3c: {  	[tilespmem:$0x200] =	vst v2;
	v2 =	vadd.s32 v0, v3;
	v3 =	vand.u32 $0xFFFF, v4  }
0x3d: {  	s14 =	simm.s32 $0x0;
	[tilespmem:$0x210] =	vst v2;
	v2 =	vadd.s32 v0, v3;
	v3 =	vand.u32 $0xFFFF, v5  }
0x3e: {  	s24 =	sand.u32 $0xFE00, s14;
	[tilespmem:$0x220] =	vst v2;
	v2 =	vadd.s32 v0, v3;
	v3 =	vand.u32 $0xFFFF, v6  }
0x3f: {  	s20 =	sand.u32 $0x70, s14;
	s18 =	sshrl.u32 s24, $0x2;
	[tilespmem:$0x230] =	vst v2;
	v2 =	vadd.s32 v0, v3  }
0x40: {  	s17 =	simm.s32 $0x40;
	s20 =	sor.u32 s20, s18;
	[tilespmem:$0x240] =	vst v2  }
0x41: {  	[tilespmem:s29], [sflag:$0x3] =	stream.indirect.gather [hbm4b:s1+s26], $0x80, s28, s26, $0xb8;
	[tilespmem:$0x1E180] =	vst v63  }
.LBB2_4:
0x42: {  	p1 =	sne.s32 s17, $0x9FC0  }
0x43: {  	[tilespmem:s20+$0x2C00] =	vst v1;
	s14 =	sadd.s32 $0x10, s14;
	s18 =	smov.u32 s17;
	s17 =	sadd.s32 $0x40, s17  }
.Ltmp1:
0x44: {  	(pc) =	sbr.rel @p1 .LBB2_4-.Ltmp1, $4  }
0x45: {  	_ = 	snop  }
0x46: {  	s18 =	sand.u32 $0xFE00, s18  }
0x47: {  	s20 =	sand.u32 $0x70, s14;
	s18 =	sshrl.u32 s18, $0x2  }
0x48: {  	s20 =	sor.u32 s20, s18  }
0x49: {  	p1 =	sne.s32 s11, $0x1  }
.Ltmp2:
0x4a: {  	_ = 	snop;
	(pc) =	sbr.rel @!p1 .LBB2_7-.Ltmp2, $4  }
0x4b: {  	[tilespmem:s20+$0x2C00] =	vst v1  }
0x4c: {  	[spmem:s15] =	stream.linear.scatter [tilespmem:s30], [sflag:$0x7], $0x2800, $0x38;
	[tilespmem:$0x1E180] =	vst v63  }
0x4d: {  	_ =	swait.ge [sflag:s31], $0x2800  }
0x4e: {  	s14 =	sadd.s32 $0xFFFFFFFF, s11;
	s17 =	smov.u32 s15;
	[sflag:s31] =	ssyncset.done $0x0  }
.LBB2_6:
0x4f: {  	p1 =	sne.s32 s14, $0x1;
	[sflag:s31] =	ssyncadd.s32 $0xFFFFD800;
	s17 =	sadd.s32 $0x2800, s17  }
.Ltmp3:
0x50: {  	s14 =	sadd.s32 $0xFFFFFFFF, s14;
	(pc) =	sbr.rel @p1 .LBB2_6-.Ltmp3, $4  }
0x51: {  	_ = 	snop  }
0x52: {  	[spmem:s17] =	stream.linear.scatter [tilespmem:s30], [sflag:$0x7], $0x2800, $0x38;
	[tilespmem:$0x1E180] =	vst v63  }
0x53: {  	_ =	swait.ge [sflag:s31], $0x2800  }
0x54: {  	[sflag:s31] =	ssyncset.done $0x0  }
.LBB2_7:
0x55: {  	[sflag:s31] =	ssyncadd.s32 $0xFFFFD800  }
0x56: {  	v2 =	vld [tilespmem:$0x0];
	_ =	sdelay $0x4  }
0x57: {  	v2 =	vshrl.u32 v2, $0x10  }
0x58: {  	v3 =	vmul.u32 $0x68DC, v2;
	_ =	sdelay $0x1  }
0x59: {  	v3 =	vshrl.u32 v3, $0x18  }
0x5a: {  	v3 =	vmul.u32 $0xF, v3;
	_ =	sdelay $0x1  }
0x5b: {  	v4 =	vld [tilespmem:$0x100];
	v3 =	vadd.s32 v2, v3;
	_ =	sdelay $0x3  }
0x5c: {  	[tilespmem:$0x300] =	vst v2  }
0x5d: {  	[tilespmem:v3+s0+$0x0] =	vst.idx.add.f32.msk $0xffff, v4  }
0x5e: {  	v2 =	vld [tilespmem:$0x10];
	_ =	sdelay $0x4  }
0x5f: {  	v2 =	vshrl.u32 v2, $0x10  }
0x60: {  	v3 =	vmul.u32 $0x68DC, v2;
	_ =	sdelay $0x1  }
0x61: {  	v3 =	vshrl.u32 v3, $0x18  }
0x62: {  	v3 =	vmul.u32 $0xF, v3;
	_ =	sdelay $0x1  }
0x63: {  	v4 =	vld [tilespmem:$0x110];
	v3 =	vadd.s32 v2, v3;
	_ =	sdelay $0x3  }
0x64: {  	[tilespmem:$0x310] =	vst v2  }
0x65: {  	[tilespmem:v3+s0+$0x0] =	vst.idx.add.f32.msk $0xffff, v4  }
0x66: {  	v2 =	vld [tilespmem:$0x20];
	_ =	sdelay $0x4  }
0x67: {  	v2 =	vshrl.u32 v2, $0x10  }
0x68: {  	v3 =	vmul.u32 $0x68DC, v2;
	_ =	sdelay $0x1  }
0x69: {  	v3 =	vshrl.u32 v3, $0x18  }
0x6a: {  	v3 =	vmul.u32 $0xF, v3;
	_ =	sdelay $0x1  }
0x6b: {  	v4 =	vld [tilespmem:$0x120];
	v3 =	vadd.s32 v2, v3;
	_ =	sdelay $0x3  }
0x6c: {  	[tilespmem:$0x320] =	vst v2  }
0x6d: {  	[tilespmem:v3+s0+$0x0] =	vst.idx.add.f32.msk $0xffff, v4  }
0x6e: {  	v2 =	vld [tilespmem:$0x30];
	_ =	sdelay $0x4  }
0x6f: {  	v2 =	vshrl.u32 v2, $0x10  }
0x70: {  	v3 =	vmul.u32 $0x68DC, v2;
	_ =	sdelay $0x1  }
0x71: {  	v3 =	vshrl.u32 v3, $0x18  }
0x72: {  	v3 =	vmul.u32 $0xF, v3;
	_ =	sdelay $0x1  }
0x73: {  	v4 =	vld [tilespmem:$0x130];
	v3 =	vadd.s32 v2, v3;
	_ =	sdelay $0x3  }
0x74: {  	[tilespmem:$0x330] =	vst v2  }
0x75: {  	[tilespmem:v3+s0+$0x0] =	vst.idx.add.f32.msk $0xffff, v4  }
0x76: {  	v2 =	vld [tilespmem:$0x40];
	_ =	sdelay $0x4  }
0x77: {  	v2 =	vshrl.u32 v2, $0x10  }
0x78: {  	v3 =	vmul.u32 $0x68DC, v2;
	_ =	sdelay $0x1  }
0x79: {  	v3 =	vshrl.u32 v3, $0x18  }
0x7a: {  	v3 =	vmul.u32 $0xF, v3;
	_ =	sdelay $0x1  }
0x7b: {  	v4 =	vld [tilespmem:$0x140];
	v3 =	vadd.s32 v2, v3;
	_ =	sdelay $0x3  }
0x7c: {  	[tilespmem:$0x340] =	vst v2  }
0x7d: {  	[tilespmem:v3+s0+$0x0] =	vst.idx.add.f32.msk $0xffff, v4  }
0x7e: {  	[bflag:$0x0] =	sbarrier.arrive $0xFFFF  }
0x7f: {  	s14 =	simm.s32 $0x0;
	s17 =	simm.s32 $0x0;
	s20 =	rddreg [dreg:$0x12]  }
.LBB2_8:
0x80: {  	s18 =	sadd.s32 s14, s19  }
0x81: {  	s16 =	sshrl.u32 s20, $0x3;
	s18 =	sadd.s32 $0x20, s18  }
0x82: {  	[tilespmem:s4], [sflag:$0x1] =	stream.linear.gather [hbm4b:s18+s4], $0x80, $0x38;
	[tilespmem:$0x1E180] =	vst v63  }
0x83: {  	s18 =	sadd.s32 s5, s16  }
0x84: {  	[tilespmem:s21], [sflag:$0x1] =	stream.linear.gather [hbm4b:s18+s4], $0x80, $0x38;
	[tilespmem:$0x1E180] =	vst v63  }
0x85: {  	_ =	swait.ge [sflag:s22], $0x2800  }
0x86: {  	[sflag:s22] =	ssyncset.done $0x0  }
0x87: {  	[sflag:s22] =	ssyncadd.s32 $0xFFFFD800  }
0x88: {  	[spmem:s3] =	stream.indirect.scatter.add.f32 [tilespmem:s29], [sflag:$0x5], $0x80, s23, s26, $0xb8;
	[tilespmem:$0x1E180] =	vst v63  }
0x89: {  	_ =	swait.ge [sflag:s2], $0x80  }
0x8a: {  	[sflag:s2] =	ssyncset.done $0x0  }
0x8b: {  	[sflag:s2] =	ssyncadd.s32 $0xFFFFFF80  }
0x8c: {  	_ =	swait.ge [sflag:s2], $0x80  }
0x8d: {  	[sflag:s2] =	ssyncset.done $0x0  }
0x8e: {  	[sflag:s2] =	ssyncadd.s32 $0xFFFFFF80  }
0x8f: {  	v2 =	vld [tilespmem:$0x80]  }
0x90: {  	v3 =	vld [tilespmem:$0x90]  }
0x91: {  	v4 =	vld [tilespmem:$0xA0]  }
0x92: {  	v5 =	vld [tilespmem:$0xB0]  }
0x93: {  	v6 =	vld [tilespmem:$0xC0]  }
0x94: {  	v2 =	vand.u32 $0xFFFF, v2  }
0x95: {  	v3 =	vand.u32 $0xFFFF, v3;
	v2 =	vadd.s32 v0, v2  }
0x96: {  	[tilespmem:$0x280] =	vst v2;
	v2 =	vadd.s32 v0, v3;
	v3 =	vand.u32 $0xFFFF, v4  }
0x97: {  	[tilespmem:$0x290] =	vst v2;
	v2 =	vadd.s32 v0, v3;
	v3 =	vand.u32 $0xFFFF, v5  }
0x98: {  	[tilespmem:$0x2A0] =	vst v2;
	v2 =	vadd.s32 v0, v3;
	v3 =	vand.u32 $0xFFFF, v6  }
0x99: {  	p1 =	seq.s32 s14, $0x0;
	[tilespmem:$0x2B0] =	vst v2;
	v2 =	vadd.s32 v0, v3  }
0x9a: {  	s18 =	simm.s32 @!p1 $0x6;
	[tilespmem:$0x2C0] =	vst v2  }
0x9b: {  	_ =	swait.ge @!p1 [sflag:s18], $0x2800  }
0x9c: {  	[sflag:s18] =	ssyncset.done @!p1 $0x0  }
0x9d: {  	s16 =	rddreg [dreg:$0x7];
	[sflag:s18] =	ssyncadd.s32 @!p1 $0xFFFFD800  }
0x9e: {  	[tilespmem:s30], [sflag:$0x4] =	stream.indirect.gather [hbm4b:s1+s26], $0x80, s16, s26, $0xb8;
	[tilespmem:$0x1E180] =	vst v63  }
0x9f: {  	v2 =	vld [tilespmem:$0x80];
	_ =	sdelay $0x4  }
0xa0: {  	v2 =	vshrl.u32 v2, $0x10  }
0xa1: {  	v3 =	vmul.u32 $0x68DC, v2;
	_ =	sdelay $0x1  }
0xa2: {  	v3 =	vshrl.u32 v3, $0x18  }
0xa3: {  	v3 =	vmul.u32 $0xF, v3;
	_ =	sdelay $0x1  }
0xa4: {  	v59 =	vld [tilespmem:$0x180];
	v3 =	vadd.s32 v2, v3;
	_ =	sdelay $0x3  }
0xa5: {  	[tilespmem:$0x380] =	vst v2  }
0xa6: {  	[tilespmem:v3+s0+$0x0] =	vst.idx.add.f32.msk $0xffff, v59  }
0xa7: {  	v2 =	vld [tilespmem:$0x90];
	_ =	sdelay $0x4  }
0xa8: {  	v2 =	vshrl.u32 v2, $0x10  }
0xa9: {  	v3 =	vmul.u32 $0x68DC, v2;
	_ =	sdelay $0x1  }
0xaa: {  	v3 =	vshrl.u32 v3, $0x18  }
0xab: {  	v3 =	vmul.u32 $0xF, v3;
	_ =	sdelay $0x1  }
0xac: {  	v4 =	vld [tilespmem:$0x190];
	v3 =	vadd.s32 v2, v3;
	_ =	sdelay $0x3  }
0xad: {  	[tilespmem:$0x390] =	vst v2  }
0xae: {  	[tilespmem:v3+s0+$0x0] =	vst.idx.add.f32.msk $0xffff, v4  }
0xaf: {  	v2 =	vld [tilespmem:$0xA0];
	_ =	sdelay $0x4  }
0xb0: {  	v2 =	vshrl.u32 v2, $0x10  }
0xb1: {  	v3 =	vmul.u32 $0x68DC, v2;
	_ =	sdelay $0x1  }
0xb2: {  	v3 =	vshrl.u32 v3, $0x18  }
0xb3: {  	v3 =	vmul.u32 $0xF, v3;
	_ =	sdelay $0x1  }
0xb4: {  	v4 =	vld [tilespmem:$0x1A0];
	v3 =	vadd.s32 v2, v3;
	_ =	sdelay $0x3  }
0xb5: {  	[tilespmem:$0x3A0] =	vst v2  }
0xb6: {  	[tilespmem:v3+s0+$0x0] =	vst.idx.add.f32.msk $0xffff, v4  }
0xb7: {  	v2 =	vld [tilespmem:$0xB0];
	_ =	sdelay $0x4  }
0xb8: {  	v2 =	vshrl.u32 v2, $0x10  }
0xb9: {  	v3 =	vmul.u32 $0x68DC, v2;
	_ =	sdelay $0x1  }
0xba: {  	v3 =	vshrl.u32 v3, $0x18  }
0xbb: {  	v3 =	vmul.u32 $0xF, v3;
	_ =	sdelay $0x1  }
0xbc: {  	v4 =	vld [tilespmem:$0x1B0];
	v3 =	vadd.s32 v2, v3;
	_ =	sdelay $0x3  }
0xbd: {  	[tilespmem:$0x3B0] =	vst v2  }
0xbe: {  	[tilespmem:v3+s0+$0x0] =	vst.idx.add.f32.msk $0xffff, v4  }
0xbf: {  	v2 =	vld [tilespmem:$0xC0];
	_ =	sdelay $0x4  }
0xc0: {  	v2 =	vshrl.u32 v2, $0x10  }
0xc1: {  	v3 =	vmul.u32 $0x68DC, v2;
	_ =	sdelay $0x1  }
0xc2: {  	v3 =	vshrl.u32 v3, $0x18  }
0xc3: {  	v3 =	vmul.u32 $0xF, v3;
	_ =	sdelay $0x1  }
0xc4: {  	v4 =	vld [tilespmem:$0x1C0];
	v3 =	vadd.s32 v2, v3;
	_ =	sdelay $0x2  }
0xc5: {  	p1 =	sgt.u32 s17, $0x3C  }
0xc6: {  	s18 =	rddreg [dreg:$0x6];
	s16 =	sadd.s32 @!p1 s14, s19;
	[tilespmem:$0x3C0] =	vst v2  }
0xc7: {  	s24 =	simm.s32 @!p1 $0x0;
	s12 =	simm.s32 @!p1 $0x80;
	s16 =	sadd.s32 @!p1 $0x30, s16;
	[tilespmem:v3+s0+$0x0] =	vst.idx.add.f32.msk $0xffff, v4  }
0xc8: {  	[tilespmem:s12], [sflag:$0x2] =	stream.linear.gather @!p1 [hbm4b:s16+s24], $0x80, $0x38;
	[tilespmem:$0x1E180] =	vst v63  }
0xc9: {  	s12 =	sadd.s32 @!p1 s14, s18;
	s16 =	simm.s32 @!p1 $0x180  }
0xca: {  	[tilespmem:s16], [sflag:$0x2] =	stream.linear.gather @!p1 [hbm4b:s12+s24], $0x80, $0x38;
	[tilespmem:$0x1E180] =	vst v63  }
0xcb: {  	_ =	swait.ge [sflag:s8], $0x2800  }
0xcc: {  	[sflag:s8] =	ssyncset.done $0x0  }
0xcd: {  	s24 =	rddreg [dreg:$0x8];
	[sflag:s8] =	ssyncadd.s32 $0xFFFFD800  }
0xce: {  	[spmem:s3] =	stream.indirect.scatter.add.f32 [tilespmem:s30], [sflag:$0x6], $0x80, s24, s26, $0xb8;
	[tilespmem:$0x1E180] =	vst v63  }
0xcf: {  	_ =	swait.ge [sflag:s25], $0x80  }
0xd0: {  	[sflag:s25] =	ssyncset.done $0x0  }
0xd1: {  	[sflag:s25] =	ssyncadd.s32 $0xFFFFFF80  }
0xd2: {  	_ =	swait.ge [sflag:s25], $0x80  }
0xd3: {  	[sflag:s25] =	ssyncset.done $0x0  }
0xd4: {  	[sflag:s25] =	ssyncadd.s32 $0xFFFFFF80  }
0xd5: {  	v2 =	vld [tilespmem:$0x0]  }
0xd6: {  	v3 =	vld [tilespmem:$0x10]  }
0xd7: {  	v60 =	vld [tilespmem:$0x20]  }
0xd8: {  	v61 =	vld [tilespmem:$0x30]  }
0xd9: {  	v62 =	vld [tilespmem:$0x40]  }
0xda: {  	v2 =	vand.u32 $0xFFFF, v2  }
0xdb: {  	v3 =	vand.u32 $0xFFFF, v3;
	v2 =	vadd.s32 v0, v2  }
0xdc: {  	[tilespmem:$0x200] =	vst v2;
	v2 =	vadd.s32 v0, v3;
	v3 =	vand.u32 $0xFFFF, v60  }
0xdd: {  	[tilespmem:$0x210] =	vst v2;
	v2 =	vadd.s32 v0, v3;
	v3 =	vand.u32 $0xFFFF, v61  }
0xde: {  	[tilespmem:$0x220] =	vst v2;
	v2 =	vadd.s32 v0, v3;
	v3 =	vand.u32 $0xFFFF, v62  }
0xdf: {  	[tilespmem:$0x230] =	vst v2;
	v2 =	vadd.s32 v0, v3  }
0xe0: {  	[tilespmem:$0x240] =	vst v2  }
0xe1: {  	_ =	swait.ge [sflag:s10], $0x2800  }
0xe2: {  	[sflag:s10] =	ssyncset.done $0x0  }
0xe3: {  	[sflag:s10] =	ssyncadd.s32 $0xFFFFD800  }
0xe4: {  	[tilespmem:s29], [sflag:$0x3] =	stream.indirect.gather [hbm4b:s1+s26], $0x80, s28, s26, $0xb8;
	[tilespmem:$0x1E180] =	vst v63  }
0xe5: {  	v2 =	vld [tilespmem:$0x0];
	_ =	sdelay $0x4  }
0xe6: {  	v2 =	vshrl.u32 v2, $0x10  }
0xe7: {  	v3 =	vmul.u32 $0x68DC, v2;
	_ =	sdelay $0x1  }
0xe8: {  	v3 =	vshrl.u32 v3, $0x18  }
0xe9: {  	v3 =	vmul.u32 $0xF, v3;
	_ =	sdelay $0x1  }
0xea: {  	v63 =	vld [tilespmem:$0x100];
	v3 =	vadd.s32 v2, v3;
	_ =	sdelay $0x3  }
0xeb: {  	[tilespmem:$0x300] =	vst v2  }
0xec: {  	[tilespmem:v3+s0+$0x0] =	vst.idx.add.f32.msk $0xffff, v63  }
0xed: {  	v2 =	vld [tilespmem:$0x10];
	_ =	sdelay $0x4  }
0xee: {  	v2 =	vshrl.u32 v2, $0x10  }
0xef: {  	v3 =	vmul.u32 $0x68DC, v2;
	_ =	sdelay $0x1  }
0xf0: {  	v3 =	vshrl.u32 v3, $0x18  }
0xf1: {  	v3 =	vmul.u32 $0xF, v3;
	_ =	sdelay $0x1  }
0xf2: {  	v4 =	vld [tilespmem:$0x110];
	v3 =	vadd.s32 v2, v3;
	_ =	sdelay $0x3  }
0xf3: {  	[tilespmem:$0x310] =	vst v2  }
0xf4: {  	[tilespmem:v3+s0+$0x0] =	vst.idx.add.f32.msk $0xffff, v4  }
0xf5: {  	v2 =	vld [tilespmem:$0x20];
	_ =	sdelay $0x4  }
0xf6: {  	v2 =	vshrl.u32 v2, $0x10  }
0xf7: {  	v3 =	vmul.u32 $0x68DC, v2;
	_ =	sdelay $0x1  }
0xf8: {  	v3 =	vshrl.u32 v3, $0x18  }
0xf9: {  	v3 =	vmul.u32 $0xF, v3;
	_ =	sdelay $0x1  }
0xfa: {  	v4 =	vld [tilespmem:$0x120];
	v3 =	vadd.s32 v2, v3;
	_ =	sdelay $0x3  }
0xfb: {  	[tilespmem:$0x320] =	vst v2  }
0xfc: {  	[tilespmem:v3+s0+$0x0] =	vst.idx.add.f32.msk $0xffff, v4  }
0xfd: {  	v2 =	vld [tilespmem:$0x30];
	_ =	sdelay $0x4  }
0xfe: {  	v2 =	vshrl.u32 v2, $0x10  }
0xff: {  	v3 =	vmul.u32 $0x68DC, v2;
	_ =	sdelay $0x1  }
0x100: {  	v3 =	vshrl.u32 v3, $0x18  }
0x101: {  	v3 =	vmul.u32 $0xF, v3;
	_ =	sdelay $0x1  }
0x102: {  	v4 =	vld [tilespmem:$0x130];
	v3 =	vadd.s32 v2, v3;
	_ =	sdelay $0x3  }
0x103: {  	[tilespmem:$0x330] =	vst v2  }
0x104: {  	[tilespmem:v3+s0+$0x0] =	vst.idx.add.f32.msk $0xffff, v4  }
0x105: {  	v2 =	vld [tilespmem:$0x40];
	_ =	sdelay $0x4  }
0x106: {  	v2 =	vshrl.u32 v2, $0x10  }
0x107: {  	v3 =	vmul.u32 $0x68DC, v2;
	_ =	sdelay $0x1  }
0x108: {  	v3 =	vshrl.u32 v3, $0x18  }
0x109: {  	v3 =	vmul.u32 $0xF, v3  }
0x10a: {  	s14 =	sadd.s32 $0x20, s14  }
0x10b: {  	p1 =	sne.s32 s14, $0x7C0;
	v4 =	vld [tilespmem:$0x140];
	v3 =	vadd.s32 v2, v3  }
.Ltmp4:
0x10c: {  	_ = 	snop;
	(pc) =	sbr.rel @p1 .LBB2_8-.Ltmp4, $3  }
0x10d: {  	_ =	sdelay $0x1  }
0x10e: {  	[tilespmem:$0x340] =	vst v2  }
0x10f: {  	s20 =	sadd.s32 $0x100, s20;
	s17 =	sadd.s32 $0x1, s17;
	[tilespmem:v3+s0+$0x0] =	vst.idx.add.f32.msk $0xffff, v4  }
0x110: {  	_ =	swait.ge [sflag:s22], $0x2800  }
0x111: {  	[sflag:s22] =	ssyncset.done $0x0  }
0x112: {  	[sflag:s22] =	ssyncadd.s32 $0xFFFFD800  }
0x113: {  	[spmem:s3] =	stream.indirect.scatter.add.f32 [tilespmem:s29], [sflag:$0x5], $0x80, s23, s26, $0xb8;
	[tilespmem:$0x1E180] =	vst v63  }
0x114: {  	_ =	swait.ge [sflag:s9], $0x2800  }
0x115: {  	[sflag:s9] =	ssyncset.done $0x0  }
0x116: {  	[sflag:s9] =	ssyncadd.s32 $0xFFFFD800  }
0x117: {  	_ =	swait.ge [sflag:s10], $0x2800  }
0x118: {  	[sflag:s10] =	ssyncset.done $0x0  }
0x119: {  	s12 =	rddreg [dreg:$0xd];
	[sflag:s10] =	ssyncadd.s32 $0xFFFFD800  }
0x11a: {  	[spmem:s12] =	stream.linear.scatter [tilespmem:s0], [sflag:$0x7], $0x2800, $0x38;
	[tilespmem:$0x1E180] =	vst v63  }
0x11b: {  	_ =	swait.ge [sflag:s31], $0x2800  }
0x11c: {  	[sflag:s31] =	ssyncset.done $0x0  }
0x11d: {  	[sflag:s31] =	ssyncadd.s32 $0xFFFFD800  }
0x11e: {  	s16 =	simm.s32 $0x7C00;
	[bflag:$0x0] =	sbarrier.arrive $0xFFFF  }
0x11f: {  	[tilespmem:s16], [sflag:$0x7] =	stream.linear.gather [spmem:s13], $0x280, $0x38;
	[tilespmem:$0x1E180] =	vst v63  }
0x120: {  	_ =	swait.ge [sflag:s31], $0x280  }
0x121: {  	[sflag:s31] =	ssyncset.done $0x0  }
0x122: {  	s14 =	simm.s32 $0x1;
	[sflag:s31] =	ssyncadd.s32 $0xFFFFFD80  }
.LBB2_10:
0x123: {  	s12 =	smul.u32 $0xA000, s14;
	_ =	sdelay $0x1  }
0x124: {  	s12 =	sshra.s32 s12, $0x2  }
0x125: {  	s12 =	sadd.s32 s12, s13  }
0x126: {  	[tilespmem:s6], [sflag:$0x7] =	stream.linear.gather [spmem:s12], $0x280, $0x38;
	[tilespmem:$0x1E180] =	vst v63  }
0x127: {  	_ =	swait.ge [sflag:s31], $0x280  }
0x128: {  	[sflag:s31] =	ssyncset.done $0x0  }
0x129: {  	s17 =	simm.s32 $0x0;
	[sflag:s31] =	ssyncadd.s32 $0xFFFFFD80  }
0x12a: {  	s20 =	simm.s32 $0x40;
	v2 =	vld [tilespmem:s17+$0x7E80]  }
.LBB2_11:
0x12b: {  	p1 =	sne.s32 s20, $0x9C0;
	v3 =	vld [tilespmem:s17+$0x7C00];
	_ =	sdelay $0x2  }
.Ltmp5:
0x12c: {  	(pc) =	sbr.rel @p1 .LBB2_11-.Ltmp5, $4  }
0x12d: {  	_ = 	snop  }
0x12e: {  	v3 =	vadd.f32 v2, v3  }
0x12f: {  	s12 =	sshra.s32 s20, $0x2  }
0x130: {  	s20 =	sadd.s32 $0x40, s20;
	v2 =	vld [tilespmem:s12+$0x7E80];
	[tilespmem:s17+$0x7C00] =	vst v3;
	s17 =	smov.u32 s12  }
0x131: {  	v3 =	vld [tilespmem:s17+$0x7C00]  }
0x132: {  	s14 =	sadd.s32 $0x1, s14  }
0x133: {  	p1 =	sne.s32 s14, $0x10  }
.Ltmp6:
0x134: {  	_ = 	snop;
	(pc) =	sbr.rel @p1 .LBB2_10-.Ltmp6, $3  }
0x135: {  	_ = 	snop  }
0x136: {  	v2 =	vadd.f32 v2, v3;
	_ =	sdelay $0x1  }
0x137: {  	[tilespmem:s17+$0x7C00] =	vst v2  }
0x138: {  	s12 =	rddreg [dreg:$0xe]  }
0x139: {  	[hbm4b:s12+s4] =	stream.linear.scatter [tilespmem:s16], [sflag:$0x7], $0x280, $0x38;
	[tilespmem:$0x1E180] =	vst v63  }
0x13a: {  	_ =	swait.ge [sflag:s31], $0x280  }
0x13b: {  	[sflag:s31] =	ssyncset.done $0x0;
	s14 =	rddreg [dreg:$0x10]  }
0x13c: {  	s12 =	simm.s32 @p0 $0x1FC7;
	s16 =	rddreg [dreg:$0x13];
	[sflag:s31] =	ssyncadd.s32 $0xFFFFFD80  }
0x13d: {  	[hbm:s14], [sflag:s12] =	dma.local @p0 [spmem:s16], $0x1900  }
0x13e: {  	s12 =	simm.s32 @p0 $0x7  }
0x13f: {  	s14 =	stileid.u32;
	_ =	swait.ge @p0 [sflag:s12], $0x1900  }
0x140: {  	s14 =	sshll.u32 @!p0 s14, $0x6;
	[sflag:s12] =	ssyncset.done @p0 $0x0;
	s16 =	rddreg [dreg:$0xf]  }
0x141: {  	[sflag:s12] =	ssyncadd.s32 @p0 $0xFFFFE700;
	s12 =	sor.u32 @!p0 $0x1C07, s14;
	s14 =	sshrl.u32 @!p0 s15, $0x3  }
0x142: {  	[hbm:s16], [sflag:s12] =	dma.local @!p0 [spmem:s14], $0x2800  }
0x143: {  	s12 =	simm.s32 @!p0 $0x7  }
0x144: {  	_ =	swait.ge @!p0 [sflag:s12], $0x2800  }
0x145: {  	s7 =	sadd.s32 $0x1, s7;
	s24 =	rddreg [dreg:$0x11]  }
0x146: {  	p1 =	sne.s32 s7, s24  }
.Ltmp7:
0x147: {  	_ = 	snop;
	(pc) =	sbr.rel @p1 .LBB2_1-.Ltmp7, $3  }
0x148: {  	_ =	sdelay $0x1  }
0x149: {  	[sflag:s12] =	ssyncset.done @!p0 $0x0  }
0x14a: {  	[sflag:s12] =	ssyncadd.s32 @!p0 $0xFFFFD800  }
0x14b: {  	_ =	sfence.sel $0x180000  }
0x14c: {  	[bflag:$0x0] =	sbarrier.arrive $0xFFFF  }
0x14d: {  	_ =	strace $0x90000047  }
0x14e: {  	s0 =	stileid.u32;
	[bflag:$0x2] =	sbarrier.arrive $0xFFFF  }
0x14f: {  	p0 =	sne.s32 s0, $0x0;
	s0 =	rddreg [dreg:$0x5]  }
0x150: {  	s0 =	sadd.s32 @!p0 $0x100000, s0  }
0x151: {  	[sflag:s0] =	ssyncadd.tile.s32 @!p0 $0x1;
	_ =	shalt  }
.Lfunc_end2:
_tile_overlayer_lowered:
.L_overlay_start_2:
0x152: {  	(tag) =	ssettag $0x2  }
0x153: {  	s0 =	rddreg [dreg:$0x0];
	s2 =	stileid.u32  }
0x154: {  	s1 =	rddreg [dreg:$0x1];
	p0 =	sne.s32 s2, $0x0  }
0x155: {  	s3 =	rddreg [dreg:$0x2];
	[bflag:$0x3] =	sbarrier.arrive $0xFFFF;
	s2 =	simm.s32 @!p0 $0x1C07  }
0x156: {  	[timem:s3], [sflag:s2] =	dma.local @!p0 [hbm:s0], s1  }
0x157: {  	s0 =	simm.s32 @!p0 $0x7  }
0x158: {  	_ =	swait.ge @!p0 [sflag:s0], s1  }
0x159: {  	s1 =	ssub.s32 @!p0 $0x0, s1;
	[sflag:s0] =	ssyncset.done @!p0 $0x0  }
0x15a: {  	[sflag:s0] =	ssyncadd.s32 @!p0 s1  }
0x15b: {  	[bflag:$0x3] =	sbarrier.arrive $0xFFFF  }
0x15c: {  	_ =	shalt  }

</sc_bundles>
